<compile_context>
chip_gen: v7x
topology: tpu7x:2x2x1
jax: 0.10.2.dev20260603
libtpu: 0.0.44.dev20260713+nightly
codegen_flags: <defaults>
</compile_context>

<pallas_src>
import functools
import jax
import jax.numpy as jnp
from jax import lax
from jax.experimental import pallas as pl
from jax.experimental.pallas import tpu as pltpu
from jax.experimental.pallas import tpu_sc as plsc

INPUT_DIM = 1000000
OUTPUT_DIM = 64
PAD_DIM = 128
BATCH = 4096
SEQ_LEN = 200
NC, NS = 2, 16
NW = NC * NS
CHUNK = BATCH // NW
NBUF = 5

_mesh = plsc.VectorSubcoreMesh(core_axis_name="c", subcore_axis_name="s")

@functools.partial(
    pl.kernel,
    out_type=jax.ShapeDtypeStruct((BATCH, SEQ_LEN, PAD_DIM), jnp.float32),
    mesh=_mesh,
    scratch_types=[
        pltpu.VMEM((SEQ_LEN, CHUNK), jnp.int32),
        pltpu.VMEM((NBUF, CHUNK, PAD_DIM), jnp.float32),
        pltpu.SemaphoreType.DMA((NBUF,)),
        pltpu.SemaphoreType.DMA((NBUF,)),
    ],
    compiler_params=pltpu.CompilerParams(needs_layout_passes=False),
)
def _emb_lookup(xt_hbm, w_hbm, out_hbm, idx_v, rows_v, in_sems, out_sems):
    wid = lax.axis_index("s") * NC + lax.axis_index("c")
    b0 = wid * CHUNK
    pltpu.sync_copy(xt_hbm.at[:, pl.ds(b0, CHUNK)], idx_v)

    def start_gather(s, j):
        pltpu.async_copy(w_hbm.at[idx_v.at[s]], rows_v.at[j], in_sems.at[j])

    def wait_gather(s, j):
        pltpu.make_async_copy(w_hbm.at[idx_v.at[s]], rows_v.at[j], in_sems.at[j]).wait()

    def start_write(s, j):
        pltpu.async_copy(rows_v.at[j], out_hbm.at[pl.ds(b0, CHUNK), s], out_sems.at[j])

    def wait_write(s, j):
        pltpu.make_async_copy(rows_v.at[j], out_hbm.at[pl.ds(b0, CHUNK), s], out_sems.at[j]).wait()

    for j in range(NBUF):
        start_gather(j, j)

    @pl.loop(0, SEQ_LEN - NBUF, step=NBUF)
    def _ring(s0):
        for j in range(NBUF):
            s = s0 + j
            wait_gather(s, j)
            start_write(s, j)
            wait_write(s, j)
            start_gather(s + NBUF, j)

    for j in range(NBUF):
        s = SEQ_LEN - NBUF + j
        wait_gather(s, j)
        start_write(s, j)
    for j in range(NBUF):
        s = SEQ_LEN - NBUF + j
        wait_write(s, j)


def kernel(x, W):
    xt = x.astype(jnp.int32).T
    w_pad = jnp.pad(W, ((0, 0), (0, PAD_DIM - OUTPUT_DIM)))
    out = _emb_lookup(xt, w_pad)
    return out[..., :OUTPUT_DIM]

# --- scband reference (transcript-rebuilt; emitter-appended) ---
"""Pipeline reference for scband-my-embedding-44341242364179 (READ-ONLY COPY).

The authoritative reference and input builder live on the scoring server;
editing this copy changes nothing except your own understanding.
"""

import jax, jax.numpy as jnp
import numpy as np

INPUT_DIM = 1000000
OUTPUT_DIM = 64
BATCH = 4096
SEQ_LEN = 200

def setup_inputs(seed: int = 0) -> dict:
    key = jax.random.key(seed)
    k_x, k_w = jax.random.split(key)
    x = jax.random.randint(k_x, (BATCH, SEQ_LEN), 0, INPUT_DIM, dtype=jnp.int32)
    # 'uniform' init in old keras is uniform(-0.05, 0.05)
    W = jax.random.uniform(k_w, (INPUT_DIM, OUTPUT_DIM), dtype=jnp.float32, minval=-0.05, maxval=0.05)
    return {"x": x, "W": W}

def reference(x, W):
    # MyEmbedding.call with winsize=1, dropout=0.0 (inference):
    # cast to int32, then K.gather(W, x)
    x = x.astype(jnp.int32)
    out = jnp.take(W, x, axis=0)
    return out

if __name__ == "__main__":
    import jax
    _d = setup_inputs()
    print(jax.jit(kernel)(*tuple(_d.values())))

</pallas_src>

<mosaic_0001>
#map = affine_map<(d0, d1) -> (0, 0)>
#map1 = affine_map<(d0, d1) -> (0, 0, 0)>
module attributes {stable_mosaic.version = 14 : i64} {
  func.func @_emb_lookup(%arg0: i32, %arg1: i32, %arg2: memref<200x4096xi32, #tpu.memory_space<hbm>>, %arg3: memref<1000000x128xf32, #tpu.memory_space<hbm>>, %arg4: memref<4096x200x128xf32, #tpu.memory_space<hbm>>, %arg5: memref<200x128xi32, #tpu.memory_space<vmem>>, %arg6: memref<5x128x128xf32, #tpu.memory_space<vmem>>, %arg7: memref<5x!tpu.dma_semaphore, #tpu.memory_space<semaphore_mem>>, %arg8: memref<5x!tpu.dma_semaphore, #tpu.memory_space<semaphore_mem>>) attributes {dimension_semantics = [#tpu.dimension_semantics<core_parallel>, #tpu.dimension_semantics<subcore_parallel>], iteration_bounds = array<i64: 2, 16>, scalar_prefetch = 0 : i64, scratch_operands = 4 : i64, tpu.core_type = #tpu.core_type<sc_vector_subcore>, window_params = [{transform_indices = #map}, {transform_indices = #map}, {transform_indices = #map1}]} {
    %mul3A = arith.constant 2 : i32
    %mul3A_0 = arith.muli %arg1, %mul3A : i32
    %add3A = arith.addi %mul3A_0, %arg0 : i32
    %mul3A_1 = arith.constant 128 : i32
    %mul3A_2 = arith.muli %add3A, %mul3A_1 : i32
    "tpu.region"() ({
      %run_scoped3A = tpu.sem_alloc : memref<!tpu.dma_semaphore, #tpu.memory_space<semaphore_mem>>
      %dma_start3A_345 = arith.constant 0 : i32
      %dma_start3A_346 = tpu.memref_slice %arg2[%dma_start3A_345, %mul3A_2] : memref<200x4096xi32, #tpu.memory_space<hbm>> -> memref<200x128xi32, #tpu.memory_space<hbm>>
      %dma_start3A_347 = arith.constant 0 : i32
      %dma_start3A_348 = tpu.memref_slice %arg2[%dma_start3A_347, %mul3A_2] : memref<200x4096xi32, #tpu.memory_space<hbm>> -> memref<200x128xi32, #tpu.memory_space<hbm>>
      tpu.enqueue_dma source(%dma_start3A_348 : memref<200x128xi32, #tpu.memory_space<hbm>>) target(%arg5 : memref<200x128xi32, #tpu.memory_space<vmem>>) target_semaphore(%run_scoped3A : memref<!tpu.dma_semaphore, #tpu.memory_space<semaphore_mem>>)
      %dma_wait3A_349 = arith.constant 0 : i32
      %dma_wait3A_350 = tpu.memref_slice %arg2[%dma_wait3A_349, %mul3A_2] : memref<200x4096xi32, #tpu.memory_space<hbm>> -> memref<200x128xi32, #tpu.memory_space<hbm>>
      %dma_wait3A_351 = arith.constant 0 : i32
      %dma_wait3A_352 = tpu.memref_slice %arg2[%dma_wait3A_351, %mul3A_2] : memref<200x4096xi32, #tpu.memory_space<hbm>> -> memref<200x128xi32, #tpu.memory_space<hbm>>
      tpu.wait_dma2 semaphore(%run_scoped3A : memref<!tpu.dma_semaphore, #tpu.memory_space<semaphore_mem>>) src(%dma_wait3A_352 : memref<200x128xi32, #tpu.memory_space<hbm>>) dst(%arg5 : memref<200x128xi32, #tpu.memory_space<vmem>>)
      tpu.yield
    }) : () -> ()
    %dma_start3A = arith.constant 0 : i32
    %dma_start3A_3 = arith.constant 0 : i32
    %dma_start3A_4 = arith.constant 0 : i32
    %dma_start3A_5 = arith.constant 0 : i32
    %dma_start3A_6 = arith.constant 0 : i32
    %dma_start3A_7 = tpu.memref_slice %arg6[%dma_start3A_3, %dma_start3A_5, %dma_start3A_6] : memref<5x128x128xf32, #tpu.memory_space<vmem>> -> memref<1x128x128xf32, #tpu.memory_space<vmem>>
    %dma_start3A_8 = tpu.memref_squeeze %dma_start3A_7 : memref<1x128x128xf32, #tpu.memory_space<vmem>> -> memref<128x128xf32, #tpu.memory_space<vmem>>
    %dma_start3A_9 = arith.constant 0 : i32
    %dma_start3A_10 = tpu.memref_slice %arg5[%dma_start3A, %dma_start3A_9] : memref<200x128xi32, #tpu.memory_space<vmem>> -> memref<1x128xi32, #tpu.memory_space<vmem>>
    %dma_start3A_11 = tpu.memref_squeeze %dma_start3A_10 : memref<1x128xi32, #tpu.memory_space<vmem>> -> memref<128xi32, #tpu.memory_space<vmem>>
    %dma_start3A_12 = arith.constant 0 : i32
    %dma_start3A_13 = arith.constant 0 : i32
    %dma_start3A_14 = tpu.memref_slice %arg3[%dma_start3A_12, %dma_start3A_13] : memref<1000000x128xf32, #tpu.memory_space<hbm>> -> memref<1000000x128xf32, #tpu.memory_space<hbm>>
    %dma_start3A_15 = tpu.memref_slice %arg7[%dma_start3A_4] : memref<5x!tpu.dma_semaphore, #tpu.memory_space<semaphore_mem>> -> memref<1x!tpu.dma_semaphore, #tpu.memory_space<semaphore_mem>>
    %dma_start3A_16 = tpu.memref_squeeze %dma_start3A_15 : memref<1x!tpu.dma_semaphore, #tpu.memory_space<semaphore_mem>> -> memref<!tpu.dma_semaphore, #tpu.memory_space<semaphore_mem>>
    tpu.enqueue_indirect_dma source(%dma_start3A_14 : memref<1000000x128xf32, #tpu.memory_space<hbm>>) target(%dma_start3A_8 : memref<128x128xf32, #tpu.memory_space<vmem>>) offsets(%dma_start3A_11 : memref<128xi32, #tpu.memory_space<vmem>>) semaphore(%dma_start3A_16 : memref<!tpu.dma_semaphore, #tpu.memory_space<semaphore_mem>>)
    %dma_start3A_17 = arith.constant 1 : i32
    %dma_start3A_18 = arith.constant 1 : i32
    %dma_start3A_19 = arith.constant 1 : i32
    %dma_start3A_20 = arith.constant 0 : i32
    %dma_start3A_21 = arith.constant 0 : i32
    %dma_start3A_22 = tpu.memref_slice %arg6[%dma_start3A_18, %dma_start3A_20, %dma_start3A_21] : memref<5x128x128xf32, #tpu.memory_space<vmem>> -> memref<1x128x128xf32, #tpu.memory_space<vmem>>
    %dma_start3A_23 = tpu.memref_squeeze %dma_start3A_22 : memref<1x128x128xf32, #tpu.memory_space<vmem>> -> memref<128x128xf32, #tpu.memory_space<vmem>>
    %dma_start3A_24 = arith.constant 0 : i32
    %dma_start3A_25 = tpu.memref_slice %arg5[%dma_start3A_17, %dma_start3A_24] : memref<200x128xi32, #tpu.memory_space<vmem>> -> memref<1x128xi32, #tpu.memory_space<vmem>>
    %dma_start3A_26 = tpu.memref_squeeze %dma_start3A_25 : memref<1x128xi32, #tpu.memory_space<vmem>> -> memref<128xi32, #tpu.memory_space<vmem>>
    %dma_start3A_27 = arith.constant 0 : i32
    %dma_start3A_28 = arith.constant 0 : i32
    %dma_start3A_29 = tpu.memref_slice %arg3[%dma_start3A_27, %dma_start3A_28] : memref<1000000x128xf32, #tpu.memory_space<hbm>> -> memref<1000000x128xf32, #tpu.memory_space<hbm>>
    %dma_start3A_30 = tpu.memref_slice %arg7[%dma_start3A_19] : memref<5x!tpu.dma_semaphore, #tpu.memory_space<semaphore_mem>> -> memref<1x!tpu.dma_semaphore, #tpu.memory_space<semaphore_mem>>
    %dma_start3A_31 = tpu.memref_squeeze %dma_start3A_30 : memref<1x!tpu.dma_semaphore, #tpu.memory_space<semaphore_mem>> -> memref<!tpu.dma_semaphore, #tpu.memory_space<semaphore_mem>>
    tpu.enqueue_indirect_dma source(%dma_start3A_29 : memref<1000000x128xf32, #tpu.memory_space<hbm>>) target(%dma_start3A_23 : memref<128x128xf32, #tpu.memory_space<vmem>>) offsets(%dma_start3A_26 : memref<128xi32, #tpu.memory_space<vmem>>) semaphore(%dma_start3A_31 : memref<!tpu.dma_semaphore, #tpu.memory_space<semaphore_mem>>)
    %dma_start3A_32 = arith.constant 2 : i32
    %dma_start3A_33 = arith.constant 2 : i32
    %dma_start3A_34 = arith.constant 2 : i32
    %dma_start3A_35 = arith.constant 0 : i32
    %dma_start3A_36 = arith.constant 0 : i32
    %dma_start3A_37 = tpu.memref_slice %arg6[%dma_start3A_33, %dma_start3A_35, %dma_start3A_36] : memref<5x128x128xf32, #tpu.memory_space<vmem>> -> memref<1x128x128xf32, #tpu.memory_space<vmem>>
    %dma_start3A_38 = tpu.memref_squeeze %dma_start3A_37 : memref<1x128x128xf32, #tpu.memory_space<vmem>> -> memref<128x128xf32, #tpu.memory_space<vmem>>
    %dma_start3A_39 = arith.constant 0 : i32
    %dma_start3A_40 = tpu.memref_slice %arg5[%dma_start3A_32, %dma_start3A_39] : memref<200x128xi32, #tpu.memory_space<vmem>> -> memref<1x128xi32, #tpu.memory_space<vmem>>
    %dma_start3A_41 = tpu.memref_squeeze %dma_start3A_40 : memref<1x128xi32, #tpu.memory_space<vmem>> -> memref<128xi32, #tpu.memory_space<vmem>>
    %dma_start3A_42 = arith.constant 0 : i32
    %dma_start3A_43 = arith.constant 0 : i32
    %dma_start3A_44 = tpu.memref_slice %arg3[%dma_start3A_42, %dma_start3A_43] : memref<1000000x128xf32, #tpu.memory_space<hbm>> -> memref<1000000x128xf32, #tpu.memory_space<hbm>>
    %dma_start3A_45 = tpu.memref_slice %arg7[%dma_start3A_34] : memref<5x!tpu.dma_semaphore, #tpu.memory_space<semaphore_mem>> -> memref<1x!tpu.dma_semaphore, #tpu.memory_space<semaphore_mem>>
    %dma_start3A_46 = tpu.memref_squeeze %dma_start3A_45 : memref<1x!tpu.dma_semaphore, #tpu.memory_space<semaphore_mem>> -> memref<!tpu.dma_semaphore, #tpu.memory_space<semaphore_mem>>
    tpu.enqueue_indirect_dma source(%dma_start3A_44 : memref<1000000x128xf32, #tpu.memory_space<hbm>>) target(%dma_start3A_38 : memref<128x128xf32, #tpu.memory_space<vmem>>) offsets(%dma_start3A_41 : memref<128xi32, #tpu.memory_space<vmem>>) semaphore(%dma_start3A_46 : memref<!tpu.dma_semaphore, #tpu.memory_space<semaphore_mem>>)
    %dma_start3A_47 = arith.constant 3 : i32
    %dma_start3A_48 = arith.constant 3 : i32
    %dma_start3A_49 = arith.constant 3 : i32
    %dma_start3A_50 = arith.constant 0 : i32
    %dma_start3A_51 = arith.constant 0 : i32
    %dma_start3A_52 = tpu.memref_slice %arg6[%dma_start3A_48, %dma_start3A_50, %dma_start3A_51] : memref<5x128x128xf32, #tpu.memory_space<vmem>> -> memref<1x128x128xf32, #tpu.memory_space<vmem>>
    %dma_start3A_53 = tpu.memref_squeeze %dma_start3A_52 : memref<1x128x128xf32, #tpu.memory_space<vmem>> -> memref<128x128xf32, #tpu.memory_space<vmem>>
    %dma_start3A_54 = arith.constant 0 : i32
    %dma_start3A_55 = tpu.memref_slice %arg5[%dma_start3A_47, %dma_start3A_54] : memref<200x128xi32, #tpu.memory_space<vmem>> -> memref<1x128xi32, #tpu.memory_space<vmem>>
    %dma_start3A_56 = tpu.memref_squeeze %dma_start3A_55 : memref<1x128xi32, #tpu.memory_space<vmem>> -> memref<128xi32, #tpu.memory_space<vmem>>
    %dma_start3A_57 = arith.constant 0 : i32
    %dma_start3A_58 = arith.constant 0 : i32
    %dma_start3A_59 = tpu.memref_slice %arg3[%dma_start3A_57, %dma_start3A_58] : memref<1000000x128xf32, #tpu.memory_space<hbm>> -> memref<1000000x128xf32, #tpu.memory_space<hbm>>
    %dma_start3A_60 = tpu.memref_slice %arg7[%dma_start3A_49] : memref<5x!tpu.dma_semaphore, #tpu.memory_space<semaphore_mem>> -> memref<1x!tpu.dma_semaphore, #tpu.memory_space<semaphore_mem>>
    %dma_start3A_61 = tpu.memref_squeeze %dma_start3A_60 : memref<1x!tpu.dma_semaphore, #tpu.memory_space<semaphore_mem>> -> memref<!tpu.dma_semaphore, #tpu.memory_space<semaphore_mem>>
    tpu.enqueue_indirect_dma source(%dma_start3A_59 : memref<1000000x128xf32, #tpu.memory_space<hbm>>) target(%dma_start3A_53 : memref<128x128xf32, #tpu.memory_space<vmem>>) offsets(%dma_start3A_56 : memref<128xi32, #tpu.memory_space<vmem>>) semaphore(%dma_start3A_61 : memref<!tpu.dma_semaphore, #tpu.memory_space<semaphore_mem>>)
    %dma_start3A_62 = arith.constant 4 : i32
    %dma_start3A_63 = arith.constant 4 : i32
    %dma_start3A_64 = arith.constant 4 : i32
    %dma_start3A_65 = arith.constant 0 : i32
    %dma_start3A_66 = arith.constant 0 : i32
    %dma_start3A_67 = tpu.memref_slice %arg6[%dma_start3A_63, %dma_start3A_65, %dma_start3A_66] : memref<5x128x128xf32, #tpu.memory_space<vmem>> -> memref<1x128x128xf32, #tpu.memory_space<vmem>>
    %dma_start3A_68 = tpu.memref_squeeze %dma_start3A_67 : memref<1x128x128xf32, #tpu.memory_space<vmem>> -> memref<128x128xf32, #tpu.memory_space<vmem>>
    %dma_start3A_69 = arith.constant 0 : i32
    %dma_start3A_70 = tpu.memref_slice %arg5[%dma_start3A_62, %dma_start3A_69] : memref<200x128xi32, #tpu.memory_space<vmem>> -> memref<1x128xi32, #tpu.memory_space<vmem>>
    %dma_start3A_71 = tpu.memref_squeeze %dma_start3A_70 : memref<1x128xi32, #tpu.memory_space<vmem>> -> memref<128xi32, #tpu.memory_space<vmem>>
    %dma_start3A_72 = arith.constant 0 : i32
    %dma_start3A_73 = arith.constant 0 : i32
    %dma_start3A_74 = tpu.memref_slice %arg3[%dma_start3A_72, %dma_start3A_73] : memref<1000000x128xf32, #tpu.memory_space<hbm>> -> memref<1000000x128xf32, #tpu.memory_space<hbm>>
    %dma_start3A_75 = tpu.memref_slice %arg7[%dma_start3A_64] : memref<5x!tpu.dma_semaphore, #tpu.memory_space<semaphore_mem>> -> memref<1x!tpu.dma_semaphore, #tpu.memory_space<semaphore_mem>>
    %dma_start3A_76 = tpu.memref_squeeze %dma_start3A_75 : memref<1x!tpu.dma_semaphore, #tpu.memory_space<semaphore_mem>> -> memref<!tpu.dma_semaphore, #tpu.memory_space<semaphore_mem>>
    tpu.enqueue_indirect_dma source(%dma_start3A_74 : memref<1000000x128xf32, #tpu.memory_space<hbm>>) target(%dma_start3A_68 : memref<128x128xf32, #tpu.memory_space<vmem>>) offsets(%dma_start3A_71 : memref<128xi32, #tpu.memory_space<vmem>>) semaphore(%dma_start3A_76 : memref<!tpu.dma_semaphore, #tpu.memory_space<semaphore_mem>>)
    %scan3A = arith.constant 0 : i32
    %scan3A_77 = arith.constant 39 : i32
    %scan3A_78 = arith.addi %scan3A, %scan3A_77 : i32
    %scan3A_79 = arith.constant 1 : i32
    scf.for %scan3A_345 = %scan3A to %scan3A_78 step %scan3A_79  : i32 {
      %mul3A_346 = arith.constant 5 : i32
      %mul3A_347 = arith.muli %scan3A_345, %mul3A_346 : i32
      %add3A_348 = arith.constant 0 : i32
      %add3A_349 = arith.addi %add3A_348, %mul3A_347 : i32
      %add3A_350 = arith.constant 0 : i32
      %add3A_351 = arith.addi %add3A_349, %add3A_350 : i32
      %dma_wait3A_352 = arith.constant 0 : i32
      %dma_wait3A_353 = arith.constant 0 : i32
      %dma_wait3A_354 = arith.constant 0 : i32
      %dma_wait3A_355 = arith.constant 0 : i32
      %dma_wait3A_356 = tpu.memref_slice %arg6[%dma_wait3A_352, %dma_wait3A_354, %dma_wait3A_355] : memref<5x128x128xf32, #tpu.memory_space<vmem>> -> memref<1x128x128xf32, #tpu.memory_space<vmem>>
      %dma_wait3A_357 = tpu.memref_squeeze %dma_wait3A_356 : memref<1x128x128xf32, #tpu.memory_space<vmem>> -> memref<128x128xf32, #tpu.memory_space<vmem>>
      %dma_wait3A_358 = arith.constant 0 : i32
      %dma_wait3A_359 = tpu.memref_slice %arg5[%add3A_351, %dma_wait3A_358] : memref<200x128xi32, #tpu.memory_space<vmem>> -> memref<1x128xi32, #tpu.memory_space<vmem>>
      %dma_wait3A_360 = tpu.memref_squeeze %dma_wait3A_359 : memref<1x128xi32, #tpu.memory_space<vmem>> -> memref<128xi32, #tpu.memory_space<vmem>>
      %dma_wait3A_361 = arith.constant 0 : i32
      %dma_wait3A_362 = arith.constant 0 : i32
      %dma_wait3A_363 = tpu.memref_slice %arg3[%dma_wait3A_361, %dma_wait3A_362] : memref<1000000x128xf32, #tpu.memory_space<hbm>> -> memref<1000000x128xf32, #tpu.memory_space<hbm>>
      %dma_wait3A_364 = tpu.memref_slice %arg7[%dma_wait3A_353] : memref<5x!tpu.dma_semaphore, #tpu.memory_space<semaphore_mem>> -> memref<1x!tpu.dma_semaphore, #tpu.memory_space<semaphore_mem>>
      %dma_wait3A_365 = tpu.memref_squeeze %dma_wait3A_364 : memref<1x!tpu.dma_semaphore, #tpu.memory_space<semaphore_mem>> -> memref<!tpu.dma_semaphore, #tpu.memory_space<semaphore_mem>>
      tpu.wait_indirect_dma semaphore(%dma_wait3A_365 : memref<!tpu.dma_semaphore, #tpu.memory_space<semaphore_mem>>) src(%dma_wait3A_363 : memref<1000000x128xf32, #tpu.memory_space<hbm>>) dst(%dma_wait3A_357 : memref<128x128xf32, #tpu.memory_space<vmem>>)
      %dma_start3A_366 = arith.constant 0 : i32
      %dma_start3A_367 = arith.constant 0 : i32
      %dma_start3A_368 = arith.constant 0 : i32
      %dma_start3A_369 = arith.constant 0 : i32
      %dma_start3A_370 = tpu.memref_slice %arg6[%dma_start3A_366, %dma_start3A_368, %dma_start3A_369] : memref<5x128x128xf32, #tpu.memory_space<vmem>> -> memref<1x128x128xf32, #tpu.memory_space<vmem>>
      %dma_start3A_371 = tpu.memref_squeeze %dma_start3A_370 : memref<1x128x128xf32, #tpu.memory_space<vmem>> -> memref<128x128xf32, #tpu.memory_space<vmem>>
      %dma_start3A_372 = arith.constant 0 : i32
      %dma_start3A_373 = tpu.memref_slice %arg4[%mul3A_2, %add3A_351, %dma_start3A_372] : memref<4096x200x128xf32, #tpu.memory_space<hbm>> -> memref<128x1x128xf32, #tpu.memory_space<hbm>>
      %dma_start3A_374 = tpu.memref_squeeze %dma_start3A_373 : memref<128x1x128xf32, #tpu.memory_space<hbm>> -> memref<128x128xf32, #tpu.memory_space<hbm>>
      %dma_start3A_375 = tpu.memref_slice %arg8[%dma_start3A_367] : memref<5x!tpu.dma_semaphore, #tpu.memory_space<semaphore_mem>> -> memref<1x!tpu.dma_semaphore, #tpu.memory_space<semaphore_mem>>
      %dma_start3A_376 = tpu.memref_squeeze %dma_start3A_375 : memref<1x!tpu.dma_semaphore, #tpu.memory_space<semaphore_mem>> -> memref<!tpu.dma_semaphore, #tpu.memory_space<semaphore_mem>>
      %dma_start3A_377 = arith.constant 0 : i32
      %dma_start3A_378 = tpu.memref_slice %arg4[%mul3A_2, %add3A_351, %dma_start3A_377] : memref<4096x200x128xf32, #tpu.memory_space<hbm>> -> memref<128x1x128xf32, #tpu.memory_space<hbm>>
      %dma_start3A_379 = tpu.memref_squeeze %dma_start3A_378 : memref<128x1x128xf32, #tpu.memory_space<hbm>> -> memref<128x128xf32, #tpu.memory_space<hbm>>
      %dma_start3A_380 = arith.constant 0 : i32
      %dma_start3A_381 = arith.constant 0 : i32
      %dma_start3A_382 = tpu.memref_slice %arg6[%dma_start3A_366, %dma_start3A_380, %dma_start3A_381] : memref<5x128x128xf32, #tpu.memory_space<vmem>> -> memref<1x128x128xf32, #tpu.memory_space<vmem>>
      %dma_start3A_383 = tpu.memref_squeeze %dma_start3A_382 : memref<1x128x128xf32, #tpu.memory_space<vmem>> -> memref<128x128xf32, #tpu.memory_space<vmem>>
      tpu.enqueue_dma source(%dma_start3A_383 : memref<128x128xf32, #tpu.memory_space<vmem>>) target(%dma_start3A_379 : memref<128x128xf32, #tpu.memory_space<hbm>>) target_semaphore(%dma_start3A_376 : memref<!tpu.dma_semaphore, #tpu.memory_space<semaphore_mem>>)
      %dma_wait3A_384 = arith.constant 0 : i32
      %dma_wait3A_385 = arith.constant 0 : i32
      %dma_wait3A_386 = arith.constant 0 : i32
      %dma_wait3A_387 = arith.constant 0 : i32
      %dma_wait3A_388 = tpu.memref_slice %arg6[%dma_wait3A_384, %dma_wait3A_386, %dma_wait3A_387] : memref<5x128x128xf32, #tpu.memory_space<vmem>> -> memref<1x128x128xf32, #tpu.memory_space<vmem>>
      %dma_wait3A_389 = tpu.memref_squeeze %dma_wait3A_388 : memref<1x128x128xf32, #tpu.memory_space<vmem>> -> memref<128x128xf32, #tpu.memory_space<vmem>>
      %dma_wait3A_390 = arith.constant 0 : i32
      %dma_wait3A_391 = tpu.memref_slice %arg4[%mul3A_2, %add3A_351, %dma_wait3A_390] : memref<4096x200x128xf32, #tpu.memory_space<hbm>> -> memref<128x1x128xf32, #tpu.memory_space<hbm>>
      %dma_wait3A_392 = tpu.memref_squeeze %dma_wait3A_391 : memref<128x1x128xf32, #tpu.memory_space<hbm>> -> memref<128x128xf32, #tpu.memory_space<hbm>>
      %dma_wait3A_393 = tpu.memref_slice %arg8[%dma_wait3A_385] : memref<5x!tpu.dma_semaphore, #tpu.memory_space<semaphore_mem>> -> memref<1x!tpu.dma_semaphore, #tpu.memory_space<semaphore_mem>>
      %dma_wait3A_394 = tpu.memref_squeeze %dma_wait3A_393 : memref<1x!tpu.dma_semaphore, #tpu.memory_space<semaphore_mem>> -> memref<!tpu.dma_semaphore, #tpu.memory_space<semaphore_mem>>
      %dma_wait3A_395 = arith.constant 0 : i32
      %dma_wait3A_396 = tpu.memref_slice %arg4[%mul3A_2, %add3A_351, %dma_wait3A_395] : memref<4096x200x128xf32, #tpu.memory_space<hbm>> -> memref<128x1x128xf32, #tpu.memory_space<hbm>>
      %dma_wait3A_397 = tpu.memref_squeeze %dma_wait3A_396 : memref<128x1x128xf32, #tpu.memory_space<hbm>> -> memref<128x128xf32, #tpu.memory_space<hbm>>
      %dma_wait3A_398 = arith.constant 0 : i32
      %dma_wait3A_399 = arith.constant 0 : i32
      %dma_wait3A_400 = tpu.memref_slice %arg6[%dma_wait3A_384, %dma_wait3A_398, %dma_wait3A_399] : memref<5x128x128xf32, #tpu.memory_space<vmem>> -> memref<1x128x128xf32, #tpu.memory_space<vmem>>
      %dma_wait3A_401 = tpu.memref_squeeze %dma_wait3A_400 : memref<1x128x128xf32, #tpu.memory_space<vmem>> -> memref<128x128xf32, #tpu.memory_space<vmem>>
      tpu.wait_dma2 semaphore(%dma_wait3A_394 : memref<!tpu.dma_semaphore, #tpu.memory_space<semaphore_mem>>) src(%dma_wait3A_401 : memref<128x128xf32, #tpu.memory_space<vmem>>) dst(%dma_wait3A_397 : memref<128x128xf32, #tpu.memory_space<hbm>>)
      %add3A_402 = arith.constant 5 : i32
      %add3A_403 = arith.addi %add3A_351, %add3A_402 : i32
      %dma_start3A_404 = arith.constant 0 : i32
      %dma_start3A_405 = arith.constant 0 : i32
      %dma_start3A_406 = arith.constant 0 : i32
      %dma_start3A_407 = arith.constant 0 : i32
      %dma_start3A_408 = tpu.memref_slice %arg6[%dma_start3A_404, %dma_start3A_406, %dma_start3A_407] : memref<5x128x128xf32, #tpu.memory_space<vmem>> -> memref<1x128x128xf32, #tpu.memory_space<vmem>>
      %dma_start3A_409 = tpu.memref_squeeze %dma_start3A_408 : memref<1x128x128xf32, #tpu.memory_space<vmem>> -> memref<128x128xf32, #tpu.memory_space<vmem>>
      %dma_start3A_410 = arith.constant 0 : i32
      %dma_start3A_411 = tpu.memref_slice %arg5[%add3A_403, %dma_start3A_410] : memref<200x128xi32, #tpu.memory_space<vmem>> -> memref<1x128xi32, #tpu.memory_space<vmem>>
      %dma_start3A_412 = tpu.memref_squeeze %dma_start3A_411 : memref<1x128xi32, #tpu.memory_space<vmem>> -> memref<128xi32, #tpu.memory_space<vmem>>
      %dma_start3A_413 = arith.constant 0 : i32
      %dma_start3A_414 = arith.constant 0 : i32
      %dma_start3A_415 = tpu.memref_slice %arg3[%dma_start3A_413, %dma_start3A_414] : memref<1000000x128xf32, #tpu.memory_space<hbm>> -> memref<1000000x128xf32, #tpu.memory_space<hbm>>
      %dma_start3A_416 = tpu.memref_slice %arg7[%dma_start3A_405] : memref<5x!tpu.dma_semaphore, #tpu.memory_space<semaphore_mem>> -> memref<1x!tpu.dma_semaphore, #tpu.memory_space<semaphore_mem>>
      %dma_start3A_417 = tpu.memref_squeeze %dma_start3A_416 : memref<1x!tpu.dma_semaphore, #tpu.memory_space<semaphore_mem>> -> memref<!tpu.dma_semaphore, #tpu.memory_space<semaphore_mem>>
      tpu.enqueue_indirect_dma source(%dma_start3A_415 : memref<1000000x128xf32, #tpu.memory_space<hbm>>) target(%dma_start3A_409 : memref<128x128xf32, #tpu.memory_space<vmem>>) offsets(%dma_start3A_412 : memref<128xi32, #tpu.memory_space<vmem>>) semaphore(%dma_start3A_417 : memref<!tpu.dma_semaphore, #tpu.memory_space<semaphore_mem>>)
      %add3A_418 = arith.constant 1 : i32
      %add3A_419 = arith.addi %add3A_349, %add3A_418 : i32
      %dma_wait3A_420 = arith.constant 1 : i32
      %dma_wait3A_421 = arith.constant 1 : i32
      %dma_wait3A_422 = arith.constant 0 : i32
      %dma_wait3A_423 = arith.constant 0 : i32
      %dma_wait3A_424 = tpu.memref_slice %arg6[%dma_wait3A_420, %dma_wait3A_422, %dma_wait3A_423] : memref<5x128x128xf32, #tpu.memory_space<vmem>> -> memref<1x128x128xf32, #tpu.memory_space<vmem>>
      %dma_wait3A_425 = tpu.memref_squeeze %dma_wait3A_424 : memref<1x128x128xf32, #tpu.memory_space<vmem>> -> memref<128x128xf32, #tpu.memory_space<vmem>>
      %dma_wait3A_426 = arith.constant 0 : i32
      %dma_wait3A_427 = tpu.memref_slice %arg5[%add3A_419, %dma_wait3A_426] : memref<200x128xi32, #tpu.memory_space<vmem>> -> memref<1x128xi32, #tpu.memory_space<vmem>>
      %dma_wait3A_428 = tpu.memref_squeeze %dma_wait3A_427 : memref<1x128xi32, #tpu.memory_space<vmem>> -> memref<128xi32, #tpu.memory_space<vmem>>
      %dma_wait3A_429 = arith.constant 0 : i32
      %dma_wait3A_430 = arith.constant 0 : i32
      %dma_wait3A_431 = tpu.memref_slice %arg3[%dma_wait3A_429, %dma_wait3A_430] : memref<1000000x128xf32, #tpu.memory_space<hbm>> -> memref<1000000x128xf32, #tpu.memory_space<hbm>>
      %dma_wait3A_432 = tpu.memref_slice %arg7[%dma_wait3A_421] : memref<5x!tpu.dma_semaphore, #tpu.memory_space<semaphore_mem>> -> memref<1x!tpu.dma_semaphore, #tpu.memory_space<semaphore_mem>>
      %dma_wait3A_433 = tpu.memref_squeeze %dma_wait3A_432 : memref<1x!tpu.dma_semaphore, #tpu.memory_space<semaphore_mem>> -> memref<!tpu.dma_semaphore, #tpu.memory_space<semaphore_mem>>
      tpu.wait_indirect_dma semaphore(%dma_wait3A_433 : memref<!tpu.dma_semaphore, #tpu.memory_space<semaphore_mem>>) src(%dma_wait3A_431 : memref<1000000x128xf32, #tpu.memory_space<hbm>>) dst(%dma_wait3A_425 : memref<128x128xf32, #tpu.memory_space<vmem>>)
      %dma_start3A_434 = arith.constant 1 : i32
      %dma_start3A_435 = arith.constant 1 : i32
      %dma_start3A_436 = arith.constant 0 : i32
      %dma_start3A_437 = arith.constant 0 : i32
      %dma_start3A_438 = tpu.memref_slice %arg6[%dma_start3A_434, %dma_start3A_436, %dma_start3A_437] : memref<5x128x128xf32, #tpu.memory_space<vmem>> -> memref<1x128x128xf32, #tpu.memory_space<vmem>>
      %dma_start3A_439 = tpu.memref_squeeze %dma_start3A_438 : memref<1x128x128xf32, #tpu.memory_space<vmem>> -> memref<128x128xf32, #tpu.memory_space<vmem>>
      %dma_start3A_440 = arith.constant 0 : i32
      %dma_start3A_441 = tpu.memref_slice %arg4[%mul3A_2, %add3A_419, %dma_start3A_440] : memref<4096x200x128xf32, #tpu.memory_space<hbm>> -> memref<128x1x128xf32, #tpu.memory_space<hbm>>
      %dma_start3A_442 = tpu.memref_squeeze %dma_start3A_441 : memref<128x1x128xf32, #tpu.memory_space<hbm>> -> memref<128x128xf32, #tpu.memory_space<hbm>>
      %dma_start3A_443 = tpu.memref_slice %arg8[%dma_start3A_435] : memref<5x!tpu.dma_semaphore, #tpu.memory_space<semaphore_mem>> -> memref<1x!tpu.dma_semaphore, #tpu.memory_space<semaphore_mem>>
      %dma_start3A_444 = tpu.memref_squeeze %dma_start3A_443 : memref<1x!tpu.dma_semaphore, #tpu.memory_space<semaphore_mem>> -> memref<!tpu.dma_semaphore, #tpu.memory_space<semaphore_mem>>
      %dma_start3A_445 = arith.constant 0 : i32
      %dma_start3A_446 = tpu.memref_slice %arg4[%mul3A_2, %add3A_419, %dma_start3A_445] : memref<4096x200x128xf32, #tpu.memory_space<hbm>> -> memref<128x1x128xf32, #tpu.memory_space<hbm>>
      %dma_start3A_447 = tpu.memref_squeeze %dma_start3A_446 : memref<128x1x128xf32, #tpu.memory_space<hbm>> -> memref<128x128xf32, #tpu.memory_space<hbm>>
      %dma_start3A_448 = arith.constant 0 : i32
      %dma_start3A_449 = arith.constant 0 : i32
      %dma_start3A_450 = tpu.memref_slice %arg6[%dma_start3A_434, %dma_start3A_448, %dma_start3A_449] : memref<5x128x128xf32, #tpu.memory_space<vmem>> -> memref<1x128x128xf32, #tpu.memory_space<vmem>>
      %dma_start3A_451 = tpu.memref_squeeze %dma_start3A_450 : memref<1x128x128xf32, #tpu.memory_space<vmem>> -> memref<128x128xf32, #tpu.memory_space<vmem>>
      tpu.enqueue_dma source(%dma_start3A_451 : memref<128x128xf32, #tpu.memory_space<vmem>>) target(%dma_start3A_447 : memref<128x128xf32, #tpu.memory_space<hbm>>) target_semaphore(%dma_start3A_444 : memref<!tpu.dma_semaphore, #tpu.memory_space<semaphore_mem>>)
      %dma_wait3A_452 = arith.constant 1 : i32
      %dma_wait3A_453 = arith.constant 1 : i32
      %dma_wait3A_454 = arith.constant 0 : i32
      %dma_wait3A_455 = arith.constant 0 : i32
      %dma_wait3A_456 = tpu.memref_slice %arg6[%dma_wait3A_452, %dma_wait3A_454, %dma_wait3A_455] : memref<5x128x128xf32, #tpu.memory_space<vmem>> -> memref<1x128x128xf32, #tpu.memory_space<vmem>>
      %dma_wait3A_457 = tpu.memref_squeeze %dma_wait3A_456 : memref<1x128x128xf32, #tpu.memory_space<vmem>> -> memref<128x128xf32, #tpu.memory_space<vmem>>
      %dma_wait3A_458 = arith.constant 0 : i32
      %dma_wait3A_459 = tpu.memref_slice %arg4[%mul3A_2, %add3A_419, %dma_wait3A_458] : memref<4096x200x128xf32, #tpu.memory_space<hbm>> -> memref<128x1x128xf32, #tpu.memory_space<hbm>>
      %dma_wait3A_460 = tpu.memref_squeeze %dma_wait3A_459 : memref<128x1x128xf32, #tpu.memory_space<hbm>> -> memref<128x128xf32, #tpu.memory_space<hbm>>
      %dma_wait3A_461 = tpu.memref_slice %arg8[%dma_wait3A_453] : memref<5x!tpu.dma_semaphore, #tpu.memory_space<semaphore_mem>> -> memref<1x!tpu.dma_semaphore, #tpu.memory_space<semaphore_mem>>
      %dma_wait3A_462 = tpu.memref_squeeze %dma_wait3A_461 : memref<1x!tpu.dma_semaphore, #tpu.memory_space<semaphore_mem>> -> memref<!tpu.dma_semaphore, #tpu.memory_space<semaphore_mem>>
      %dma_wait3A_463 = arith.constant 0 : i32
      %dma_wait3A_464 = tpu.memref_slice %arg4[%mul3A_2, %add3A_419, %dma_wait3A_463] : memref<4096x200x128xf32, #tpu.memory_space<hbm>> -> memref<128x1x128xf32, #tpu.memory_space<hbm>>
      %dma_wait3A_465 = tpu.memref_squeeze %dma_wait3A_464 : memref<128x1x128xf32, #tpu.memory_space<hbm>> -> memref<128x128xf32, #tpu.memory_space<hbm>>
      %dma_wait3A_466 = arith.constant 0 : i32
      %dma_wait3A_467 = arith.constant 0 : i32
      %dma_wait3A_468 = tpu.memref_slice %arg6[%dma_wait3A_452, %dma_wait3A_466, %dma_wait3A_467] : memref<5x128x128xf32, #tpu.memory_space<vmem>> -> memref<1x128x128xf32, #tpu.memory_space<vmem>>
      %dma_wait3A_469 = tpu.memref_squeeze %dma_wait3A_468 : memref<1x128x128xf32, #tpu.memory_space<vmem>> -> memref<128x128xf32, #tpu.memory_space<vmem>>
      tpu.wait_dma2 semaphore(%dma_wait3A_462 : memref<!tpu.dma_semaphore, #tpu.memory_space<semaphore_mem>>) src(%dma_wait3A_469 : memref<128x128xf32, #tpu.memory_space<vmem>>) dst(%dma_wait3A_465 : memref<128x128xf32, #tpu.memory_space<hbm>>)
      %add3A_470 = arith.constant 5 : i32
      %add3A_471 = arith.addi %add3A_419, %add3A_470 : i32
      %dma_start3A_472 = arith.constant 1 : i32
      %dma_start3A_473 = arith.constant 1 : i32
      %dma_start3A_474 = arith.constant 0 : i32
      %dma_start3A_475 = arith.constant 0 : i32
      %dma_start3A_476 = tpu.memref_slice %arg6[%dma_start3A_472, %dma_start3A_474, %dma_start3A_475] : memref<5x128x128xf32, #tpu.memory_space<vmem>> -> memref<1x128x128xf32, #tpu.memory_space<vmem>>
      %dma_start3A_477 = tpu.memref_squeeze %dma_start3A_476 : memref<1x128x128xf32, #tpu.memory_space<vmem>> -> memref<128x128xf32, #tpu.memory_space<vmem>>
      %dma_start3A_478 = arith.constant 0 : i32
      %dma_start3A_479 = tpu.memref_slice %arg5[%add3A_471, %dma_start3A_478] : memref<200x128xi32, #tpu.memory_space<vmem>> -> memref<1x128xi32, #tpu.memory_space<vmem>>
      %dma_start3A_480 = tpu.memref_squeeze %dma_start3A_479 : memref<1x128xi32, #tpu.memory_space<vmem>> -> memref<128xi32, #tpu.memory_space<vmem>>
      %dma_start3A_481 = arith.constant 0 : i32
      %dma_start3A_482 = arith.constant 0 : i32
      %dma_start3A_483 = tpu.memref_slice %arg3[%dma_start3A_481, %dma_start3A_482] : memref<1000000x128xf32, #tpu.memory_space<hbm>> -> memref<1000000x128xf32, #tpu.memory_space<hbm>>
      %dma_start3A_484 = tpu.memref_slice %arg7[%dma_start3A_473] : memref<5x!tpu.dma_semaphore, #tpu.memory_space<semaphore_mem>> -> memref<1x!tpu.dma_semaphore, #tpu.memory_space<semaphore_mem>>
      %dma_start3A_485 = tpu.memref_squeeze %dma_start3A_484 : memref<1x!tpu.dma_semaphore, #tpu.memory_space<semaphore_mem>> -> memref<!tpu.dma_semaphore, #tpu.memory_space<semaphore_mem>>
      tpu.enqueue_indirect_dma source(%dma_start3A_483 : memref<1000000x128xf32, #tpu.memory_space<hbm>>) target(%dma_start3A_477 : memref<128x128xf32, #tpu.memory_space<vmem>>) offsets(%dma_start3A_480 : memref<128xi32, #tpu.memory_space<vmem>>) semaphore(%dma_start3A_485 : memref<!tpu.dma_semaphore, #tpu.memory_space<semaphore_mem>>)
      %add3A_486 = arith.constant 2 : i32
      %add3A_487 = arith.addi %add3A_349, %add3A_486 : i32
      %dma_wait3A_488 = arith.constant 2 : i32
      %dma_wait3A_489 = arith.constant 2 : i32
      %dma_wait3A_490 = arith.constant 0 : i32
      %dma_wait3A_491 = arith.constant 0 : i32
      %dma_wait3A_492 = tpu.memref_slice %arg6[%dma_wait3A_488, %dma_wait3A_490, %dma_wait3A_491] : memref<5x128x128xf32, #tpu.memory_space<vmem>> -> memref<1x128x128xf32, #tpu.memory_space<vmem>>
      %dma_wait3A_493 = tpu.memref_squeeze %dma_wait3A_492 : memref<1x128x128xf32, #tpu.memory_space<vmem>> -> memref<128x128xf32, #tpu.memory_space<vmem>>
      %dma_wait3A_494 = arith.constant 0 : i32
      %dma_wait3A_495 = tpu.memref_slice %arg5[%add3A_487, %dma_wait3A_494] : memref<200x128xi32, #tpu.memory_space<vmem>> -> memref<1x128xi32, #tpu.memory_space<vmem>>
      %dma_wait3A_496 = tpu.memref_squeeze %dma_wait3A_495 : memref<1x128xi32, #tpu.memory_space<vmem>> -> memref<128xi32, #tpu.memory_space<vmem>>
      %dma_wait3A_497 = arith.constant 0 : i32
      %dma_wait3A_498 = arith.constant 0 : i32
      %dma_wait3A_499 = tpu.memref_slice %arg3[%dma_wait3A_497, %dma_wait3A_498] : memref<1000000x128xf32, #tpu.memory_space<hbm>> -> memref<1000000x128xf32, #tpu.memory_space<hbm>>
      %dma_wait3A_500 = tpu.memref_slice %arg7[%dma_wait3A_489] : memref<5x!tpu.dma_semaphore, #tpu.memory_space<semaphore_mem>> -> memref<1x!tpu.dma_semaphore, #tpu.memory_space<semaphore_mem>>
      %dma_wait3A_501 = tpu.memref_squeeze %dma_wait3A_500 : memref<1x!tpu.dma_semaphore, #tpu.memory_space<semaphore_mem>> -> memref<!tpu.dma_semaphore, #tpu.memory_space<semaphore_mem>>
      tpu.wait_indirect_dma semaphore(%dma_wait3A_501 : memref<!tpu.dma_semaphore, #tpu.memory_space<semaphore_mem>>) src(%dma_wait3A_499 : memref<1000000x128xf32, #tpu.memory_space<hbm>>) dst(%dma_wait3A_493 : memref<128x128xf32, #tpu.memory_space<vmem>>)
      %dma_start3A_502 = arith.constant 2 : i32
      %dma_start3A_503 = arith.constant 2 : i32
      %dma_start3A_504 = arith.constant 0 : i32
      %dma_start3A_505 = arith.constant 0 : i32
      %dma_start3A_506 = tpu.memref_slice %arg6[%dma_start3A_502, %dma_start3A_504, %dma_start3A_505] : memref<5x128x128xf32, #tpu.memory_space<vmem>> -> memref<1x128x128xf32, #tpu.memory_space<vmem>>
      %dma_start3A_507 = tpu.memref_squeeze %dma_start3A_506 : memref<1x128x128xf32, #tpu.memory_space<vmem>> -> memref<128x128xf32, #tpu.memory_space<vmem>>
      %dma_start3A_508 = arith.constant 0 : i32
      %dma_start3A_509 = tpu.memref_slice %arg4[%mul3A_2, %add3A_487, %dma_start3A_508] : memref<4096x200x128xf32, #tpu.memory_space<hbm>> -> memref<128x1x128xf32, #tpu.memory_space<hbm>>
      %dma_start3A_510 = tpu.memref_squeeze %dma_start3A_509 : memref<128x1x128xf32, #tpu.memory_space<hbm>> -> memref<128x128xf32, #tpu.memory_space<hbm>>
      %dma_start3A_511 = tpu.memref_slice %arg8[%dma_start3A_503] : memref<5x!tpu.dma_semaphore, #tpu.memory_space<semaphore_mem>> -> memref<1x!tpu.dma_semaphore, #tpu.memory_space<semaphore_mem>>
      %dma_start3A_512 = tpu.memref_squeeze %dma_start3A_511 : memref<1x!tpu.dma_semaphore, #tpu.memory_space<semaphore_mem>> -> memref<!tpu.dma_semaphore, #tpu.memory_space<semaphore_mem>>
      %dma_start3A_513 = arith.constant 0 : i32
      %dma_start3A_514 = tpu.memref_slice %arg4[%mul3A_2, %add3A_487, %dma_start3A_513] : memref<4096x200x128xf32, #tpu.memory_space<hbm>> -> memref<128x1x128xf32, #tpu.memory_space<hbm>>
      %dma_start3A_515 = tpu.memref_squeeze %dma_start3A_514 : memref<128x1x128xf32, #tpu.memory_space<hbm>> -> memref<128x128xf32, #tpu.memory_space<hbm>>
      %dma_start3A_516 = arith.constant 0 : i32
      %dma_start3A_517 = arith.constant 0 : i32
      %dma_start3A_518 = tpu.memref_slice %arg6[%dma_start3A_502, %dma_start3A_516, %dma_start3A_517] : memref<5x128x128xf32, #tpu.memory_space<vmem>> -> memref<1x128x128xf32, #tpu.memory_space<vmem>>
      %dma_start3A_519 = tpu.memref_squeeze %dma_start3A_518 : memref<1x128x128xf32, #tpu.memory_space<vmem>> -> memref<128x128xf32, #tpu.memory_space<vmem>>
      tpu.enqueue_dma source(%dma_start3A_519 : memref<128x128xf32, #tpu.memory_space<vmem>>) target(%dma_start3A_515 : memref<128x128xf32, #tpu.memory_space<hbm>>) target_semaphore(%dma_start3A_512 : memref<!tpu.dma_semaphore, #tpu.memory_space<semaphore_mem>>)
      %dma_wait3A_520 = arith.constant 2 : i32
      %dma_wait3A_521 = arith.constant 2 : i32
      %dma_wait3A_522 = arith.constant 0 : i32
      %dma_wait3A_523 = arith.constant 0 : i32
      %dma_wait3A_524 = tpu.memref_slice %arg6[%dma_wait3A_520, %dma_wait3A_522, %dma_wait3A_523] : memref<5x128x128xf32, #tpu.memory_space<vmem>> -> memref<1x128x128xf32, #tpu.memory_space<vmem>>
      %dma_wait3A_525 = tpu.memref_squeeze %dma_wait3A_524 : memref<1x128x128xf32, #tpu.memory_space<vmem>> -> memref<128x128xf32, #tpu.memory_space<vmem>>
      %dma_wait3A_526 = arith.constant 0 : i32
      %dma_wait3A_527 = tpu.memref_slice %arg4[%mul3A_2, %add3A_487, %dma_wait3A_526] : memref<4096x200x128xf32, #tpu.memory_space<hbm>> -> memref<128x1x128xf32, #tpu.memory_space<hbm>>
      %dma_wait3A_528 = tpu.memref_squeeze %dma_wait3A_527 : memref<128x1x128xf32, #tpu.memory_space<hbm>> -> memref<128x128xf32, #tpu.memory_space<hbm>>
      %dma_wait3A_529 = tpu.memref_slice %arg8[%dma_wait3A_521] : memref<5x!tpu.dma_semaphore, #tpu.memory_space<semaphore_mem>> -> memref<1x!tpu.dma_semaphore, #tpu.memory_space<semaphore_mem>>
      %dma_wait3A_530 = tpu.memref_squeeze %dma_wait3A_529 : memref<1x!tpu.dma_semaphore, #tpu.memory_space<semaphore_mem>> -> memref<!tpu.dma_semaphore, #tpu.memory_space<semaphore_mem>>
      %dma_wait3A_531 = arith.constant 0 : i32
      %dma_wait3A_532 = tpu.memref_slice %arg4[%mul3A_2, %add3A_487, %dma_wait3A_531] : memref<4096x200x128xf32, #tpu.memory_space<hbm>> -> memref<128x1x128xf32, #tpu.memory_space<hbm>>
      %dma_wait3A_533 = tpu.memref_squeeze %dma_wait3A_532 : memref<128x1x128xf32, #tpu.memory_space<hbm>> -> memref<128x128xf32, #tpu.memory_space<hbm>>
      %dma_wait3A_534 = arith.constant 0 : i32
      %dma_wait3A_535 = arith.constant 0 : i32
      %dma_wait3A_536 = tpu.memref_slice %arg6[%dma_wait3A_520, %dma_wait3A_534, %dma_wait3A_535] : memref<5x128x128xf32, #tpu.memory_space<vmem>> -> memref<1x128x128xf32, #tpu.memory_space<vmem>>
      %dma_wait3A_537 = tpu.memref_squeeze %dma_wait3A_536 : memref<1x128x128xf32, #tpu.memory_space<vmem>> -> memref<128x128xf32, #tpu.memory_space<vmem>>
      tpu.wait_dma2 semaphore(%dma_wait3A_530 : memref<!tpu.dma_semaphore, #tpu.memory_space<semaphore_mem>>) src(%dma_wait3A_537 : memref<128x128xf32, #tpu.memory_space<vmem>>) dst(%dma_wait3A_533 : memref<128x128xf32, #tpu.memory_space<hbm>>)
      %add3A_538 = arith.constant 5 : i32
      %add3A_539 = arith.addi %add3A_487, %add3A_538 : i32
      %dma_start3A_540 = arith.constant 2 : i32
      %dma_start3A_541 = arith.constant 2 : i32
      %dma_start3A_542 = arith.constant 0 : i32
      %dma_start3A_543 = arith.constant 0 : i32
      %dma_start3A_544 = tpu.memref_slice %arg6[%dma_start3A_540, %dma_start3A_542, %dma_start3A_543] : memref<5x128x128xf32, #tpu.memory_space<vmem>> -> memref<1x128x128xf32, #tpu.memory_space<vmem>>
      %dma_start3A_545 = tpu.memref_squeeze %dma_start3A_544 : memref<1x128x128xf32, #tpu.memory_space<vmem>> -> memref<128x128xf32, #tpu.memory_space<vmem>>
      %dma_start3A_546 = arith.constant 0 : i32
      %dma_start3A_547 = tpu.memref_slice %arg5[%add3A_539, %dma_start3A_546] : memref<200x128xi32, #tpu.memory_space<vmem>> -> memref<1x128xi32, #tpu.memory_space<vmem>>
      %dma_start3A_548 = tpu.memref_squeeze %dma_start3A_547 : memref<1x128xi32, #tpu.memory_space<vmem>> -> memref<128xi32, #tpu.memory_space<vmem>>
      %dma_start3A_549 = arith.constant 0 : i32
      %dma_start3A_550 = arith.constant 0 : i32
      %dma_start3A_551 = tpu.memref_slice %arg3[%dma_start3A_549, %dma_start3A_550] : memref<1000000x128xf32, #tpu.memory_space<hbm>> -> memref<1000000x128xf32, #tpu.memory_space<hbm>>
      %dma_start3A_552 = tpu.memref_slice %arg7[%dma_start3A_541] : memref<5x!tpu.dma_semaphore, #tpu.memory_space<semaphore_mem>> -> memref<1x!tpu.dma_semaphore, #tpu.memory_space<semaphore_mem>>
      %dma_start3A_553 = tpu.memref_squeeze %dma_start3A_552 : memref<1x!tpu.dma_semaphore, #tpu.memory_space<semaphore_mem>> -> memref<!tpu.dma_semaphore, #tpu.memory_space<semaphore_mem>>
      tpu.enqueue_indirect_dma source(%dma_start3A_551 : memref<1000000x128xf32, #tpu.memory_space<hbm>>) target(%dma_start3A_545 : memref<128x128xf32, #tpu.memory_space<vmem>>) offsets(%dma_start3A_548 : memref<128xi32, #tpu.memory_space<vmem>>) semaphore(%dma_start3A_553 : memref<!tpu.dma_semaphore, #tpu.memory_space<semaphore_mem>>)
      %add3A_554 = arith.constant 3 : i32
      %add3A_555 = arith.addi %add3A_349, %add3A_554 : i32
      %dma_wait3A_556 = arith.constant 3 : i32
      %dma_wait3A_557 = arith.constant 3 : i32
      %dma_wait3A_558 = arith.constant 0 : i32
      %dma_wait3A_559 = arith.constant 0 : i32
      %dma_wait3A_560 = tpu.memref_slice %arg6[%dma_wait3A_556, %dma_wait3A_558, %dma_wait3A_559] : memref<5x128x128xf32, #tpu.memory_space<vmem>> -> memref<1x128x128xf32, #tpu.memory_space<vmem>>
      %dma_wait3A_561 = tpu.memref_squeeze %dma_wait3A_560 : memref<1x128x128xf32, #tpu.memory_space<vmem>> -> memref<128x128xf32, #tpu.memory_space<vmem>>
      %dma_wait3A_562 = arith.constant 0 : i32
      %dma_wait3A_563 = tpu.memref_slice %arg5[%add3A_555, %dma_wait3A_562] : memref<200x128xi32, #tpu.memory_space<vmem>> -> memref<1x128xi32, #tpu.memory_space<vmem>>
      %dma_wait3A_564 = tpu.memref_squeeze %dma_wait3A_563 : memref<1x128xi32, #tpu.memory_space<vmem>> -> memref<128xi32, #tpu.memory_space<vmem>>
      %dma_wait3A_565 = arith.constant 0 : i32
      %dma_wait3A_566 = arith.constant 0 : i32
      %dma_wait3A_567 = tpu.memref_slice %arg3[%dma_wait3A_565, %dma_wait3A_566] : memref<1000000x128xf32, #tpu.memory_space<hbm>> -> memref<1000000x128xf32, #tpu.memory_space<hbm>>
      %dma_wait3A_568 = tpu.memref_slice %arg7[%dma_wait3A_557] : memref<5x!tpu.dma_semaphore, #tpu.memory_space<semaphore_mem>> -> memref<1x!tpu.dma_semaphore, #tpu.memory_space<semaphore_mem>>
      %dma_wait3A_569 = tpu.memref_squeeze %dma_wait3A_568 : memref<1x!tpu.dma_semaphore, #tpu.memory_space<semaphore_mem>> -> memref<!tpu.dma_semaphore, #tpu.memory_space<semaphore_mem>>
      tpu.wait_indirect_dma semaphore(%dma_wait3A_569 : memref<!tpu.dma_semaphore, #tpu.memory_space<semaphore_mem>>) src(%dma_wait3A_567 : memref<1000000x128xf32, #tpu.memory_space<hbm>>) dst(%dma_wait3A_561 : memref<128x128xf32, #tpu.memory_space<vmem>>)
      %dma_start3A_570 = arith.constant 3 : i32
      %dma_start3A_571 = arith.constant 3 : i32
      %dma_start3A_572 = arith.constant 0 : i32
      %dma_start3A_573 = arith.constant 0 : i32
      %dma_start3A_574 = tpu.memref_slice %arg6[%dma_start3A_570, %dma_start3A_572, %dma_start3A_573] : memref<5x128x128xf32, #tpu.memory_space<vmem>> -> memref<1x128x128xf32, #tpu.memory_space<vmem>>
      %dma_start3A_575 = tpu.memref_squeeze %dma_start3A_574 : memref<1x128x128xf32, #tpu.memory_space<vmem>> -> memref<128x128xf32, #tpu.memory_space<vmem>>
      %dma_start3A_576 = arith.constant 0 : i32
      %dma_start3A_577 = tpu.memref_slice %arg4[%mul3A_2, %add3A_555, %dma_start3A_576] : memref<4096x200x128xf32, #tpu.memory_space<hbm>> -> memref<128x1x128xf32, #tpu.memory_space<hbm>>
      %dma_start3A_578 = tpu.memref_squeeze %dma_start3A_577 : memref<128x1x128xf32, #tpu.memory_space<hbm>> -> memref<128x128xf32, #tpu.memory_space<hbm>>
      %dma_start3A_579 = tpu.memref_slice %arg8[%dma_start3A_571] : memref<5x!tpu.dma_semaphore, #tpu.memory_space<semaphore_mem>> -> memref<1x!tpu.dma_semaphore, #tpu.memory_space<semaphore_mem>>
      %dma_start3A_580 = tpu.memref_squeeze %dma_start3A_579 : memref<1x!tpu.dma_semaphore, #tpu.memory_space<semaphore_mem>> -> memref<!tpu.dma_semaphore, #tpu.memory_space<semaphore_mem>>
      %dma_start3A_581 = arith.constant 0 : i32
      %dma_start3A_582 = tpu.memref_slice %arg4[%mul3A_2, %add3A_555, %dma_start3A_581] : memref<4096x200x128xf32, #tpu.memory_space<hbm>> -> memref<128x1x128xf32, #tpu.memory_space<hbm>>
      %dma_start3A_583 = tpu.memref_squeeze %dma_start3A_582 : memref<128x1x128xf32, #tpu.memory_space<hbm>> -> memref<128x128xf32, #tpu.memory_space<hbm>>
      %dma_start3A_584 = arith.constant 0 : i32
      %dma_start3A_585 = arith.constant 0 : i32
      %dma_start3A_586 = tpu.memref_slice %arg6[%dma_start3A_570, %dma_start3A_584, %dma_start3A_585] : memref<5x128x128xf32, #tpu.memory_space<vmem>> -> memref<1x128x128xf32, #tpu.memory_space<vmem>>
      %dma_start3A_587 = tpu.memref_squeeze %dma_start3A_586 : memref<1x128x128xf32, #tpu.memory_space<vmem>> -> memref<128x128xf32, #tpu.memory_space<vmem>>
      tpu.enqueue_dma source(%dma_start3A_587 : memref<128x128xf32, #tpu.memory_space<vmem>>) target(%dma_start3A_583 : memref<128x128xf32, #tpu.memory_space<hbm>>) target_semaphore(%dma_start3A_580 : memref<!tpu.dma_semaphore, #tpu.memory_space<semaphore_mem>>)
      %dma_wait3A_588 = arith.constant 3 : i32
      %dma_wait3A_589 = arith.constant 3 : i32
      %dma_wait3A_590 = arith.constant 0 : i32
      %dma_wait3A_591 = arith.constant 0 : i32
      %dma_wait3A_592 = tpu.memref_slice %arg6[%dma_wait3A_588, %dma_wait3A_590, %dma_wait3A_591] : memref<5x128x128xf32, #tpu.memory_space<vmem>> -> memref<1x128x128xf32, #tpu.memory_space<vmem>>
      %dma_wait3A_593 = tpu.memref_squeeze %dma_wait3A_592 : memref<1x128x128xf32, #tpu.memory_space<vmem>> -> memref<128x128xf32, #tpu.memory_space<vmem>>
      %dma_wait3A_594 = arith.constant 0 : i32
      %dma_wait3A_595 = tpu.memref_slice %arg4[%mul3A_2, %add3A_555, %dma_wait3A_594] : memref<4096x200x128xf32, #tpu.memory_space<hbm>> -> memref<128x1x128xf32, #tpu.memory_space<hbm>>
      %dma_wait3A_596 = tpu.memref_squeeze %dma_wait3A_595 : memref<128x1x128xf32, #tpu.memory_space<hbm>> -> memref<128x128xf32, #tpu.memory_space<hbm>>
      %dma_wait3A_597 = tpu.memref_slice %arg8[%dma_wait3A_589] : memref<5x!tpu.dma_semaphore, #tpu.memory_space<semaphore_mem>> -> memref<1x!tpu.dma_semaphore, #tpu.memory_space<semaphore_mem>>
      %dma_wait3A_598 = tpu.memref_squeeze %dma_wait3A_597 : memref<1x!tpu.dma_semaphore, #tpu.memory_space<semaphore_mem>> -> memref<!tpu.dma_semaphore, #tpu.memory_space<semaphore_mem>>
      %dma_wait3A_599 = arith.constant 0 : i32
      %dma_wait3A_600 = tpu.memref_slice %arg4[%mul3A_2, %add3A_555, %dma_wait3A_599] : memref<4096x200x128xf32, #tpu.memory_space<hbm>> -> memref<128x1x128xf32, #tpu.memory_space<hbm>>
      %dma_wait3A_601 = tpu.memref_squeeze %dma_wait3A_600 : memref<128x1x128xf32, #tpu.memory_space<hbm>> -> memref<128x128xf32, #tpu.memory_space<hbm>>
      %dma_wait3A_602 = arith.constant 0 : i32
      %dma_wait3A_603 = arith.constant 0 : i32
      %dma_wait3A_604 = tpu.memref_slice %arg6[%dma_wait3A_588, %dma_wait3A_602, %dma_wait3A_603] : memref<5x128x128xf32, #tpu.memory_space<vmem>> -> memref<1x128x128xf32, #tpu.memory_space<vmem>>
      %dma_wait3A_605 = tpu.memref_squeeze %dma_wait3A_604 : memref<1x128x128xf32, #tpu.memory_space<vmem>> -> memref<128x128xf32, #tpu.memory_space<vmem>>
      tpu.wait_dma2 semaphore(%dma_wait3A_598 : memref<!tpu.dma_semaphore, #tpu.memory_space<semaphore_mem>>) src(%dma_wait3A_605 : memref<128x128xf32, #tpu.memory_space<vmem>>) dst(%dma_wait3A_601 : memref<128x128xf32, #tpu.memory_space<hbm>>)
      %add3A_606 = arith.constant 5 : i32
      %add3A_607 = arith.addi %add3A_555, %add3A_606 : i32
      %dma_start3A_608 = arith.constant 3 : i32
      %dma_start3A_609 = arith.constant 3 : i32
      %dma_start3A_610 = arith.constant 0 : i32
      %dma_start3A_611 = arith.constant 0 : i32
      %dma_start3A_612 = tpu.memref_slice %arg6[%dma_start3A_608, %dma_start3A_610, %dma_start3A_611] : memref<5x128x128xf32, #tpu.memory_space<vmem>> -> memref<1x128x128xf32, #tpu.memory_space<vmem>>
      %dma_start3A_613 = tpu.memref_squeeze %dma_start3A_612 : memref<1x128x128xf32, #tpu.memory_space<vmem>> -> memref<128x128xf32, #tpu.memory_space<vmem>>
      %dma_start3A_614 = arith.constant 0 : i32
      %dma_start3A_615 = tpu.memref_slice %arg5[%add3A_607, %dma_start3A_614] : memref<200x128xi32, #tpu.memory_space<vmem>> -> memref<1x128xi32, #tpu.memory_space<vmem>>
      %dma_start3A_616 = tpu.memref_squeeze %dma_start3A_615 : memref<1x128xi32, #tpu.memory_space<vmem>> -> memref<128xi32, #tpu.memory_space<vmem>>
      %dma_start3A_617 = arith.constant 0 : i32
      %dma_start3A_618 = arith.constant 0 : i32
      %dma_start3A_619 = tpu.memref_slice %arg3[%dma_start3A_617, %dma_start3A_618] : memref<1000000x128xf32, #tpu.memory_space<hbm>> -> memref<1000000x128xf32, #tpu.memory_space<hbm>>
      %dma_start3A_620 = tpu.memref_slice %arg7[%dma_start3A_609] : memref<5x!tpu.dma_semaphore, #tpu.memory_space<semaphore_mem>> -> memref<1x!tpu.dma_semaphore, #tpu.memory_space<semaphore_mem>>
      %dma_start3A_621 = tpu.memref_squeeze %dma_start3A_620 : memref<1x!tpu.dma_semaphore, #tpu.memory_space<semaphore_mem>> -> memref<!tpu.dma_semaphore, #tpu.memory_space<semaphore_mem>>
      tpu.enqueue_indirect_dma source(%dma_start3A_619 : memref<1000000x128xf32, #tpu.memory_space<hbm>>) target(%dma_start3A_613 : memref<128x128xf32, #tpu.memory_space<vmem>>) offsets(%dma_start3A_616 : memref<128xi32, #tpu.memory_space<vmem>>) semaphore(%dma_start3A_621 : memref<!tpu.dma_semaphore, #tpu.memory_space<semaphore_mem>>)
      %add3A_622 = arith.constant 4 : i32
      %add3A_623 = arith.addi %add3A_349, %add3A_622 : i32
      %dma_wait3A_624 = arith.constant 4 : i32
      %dma_wait3A_625 = arith.constant 4 : i32
      %dma_wait3A_626 = arith.constant 0 : i32
      %dma_wait3A_627 = arith.constant 0 : i32
      %dma_wait3A_628 = tpu.memref_slice %arg6[%dma_wait3A_624, %dma_wait3A_626, %dma_wait3A_627] : memref<5x128x128xf32, #tpu.memory_space<vmem>> -> memref<1x128x128xf32, #tpu.memory_space<vmem>>
      %dma_wait3A_629 = tpu.memref_squeeze %dma_wait3A_628 : memref<1x128x128xf32, #tpu.memory_space<vmem>> -> memref<128x128xf32, #tpu.memory_space<vmem>>
      %dma_wait3A_630 = arith.constant 0 : i32
      %dma_wait3A_631 = tpu.memref_slice %arg5[%add3A_623, %dma_wait3A_630] : memref<200x128xi32, #tpu.memory_space<vmem>> -> memref<1x128xi32, #tpu.memory_space<vmem>>
      %dma_wait3A_632 = tpu.memref_squeeze %dma_wait3A_631 : memref<1x128xi32, #tpu.memory_space<vmem>> -> memref<128xi32, #tpu.memory_space<vmem>>
      %dma_wait3A_633 = arith.constant 0 : i32
      %dma_wait3A_634 = arith.constant 0 : i32
      %dma_wait3A_635 = tpu.memref_slice %arg3[%dma_wait3A_633, %dma_wait3A_634] : memref<1000000x128xf32, #tpu.memory_space<hbm>> -> memref<1000000x128xf32, #tpu.memory_space<hbm>>
      %dma_wait3A_636 = tpu.memref_slice %arg7[%dma_wait3A_625] : memref<5x!tpu.dma_semaphore, #tpu.memory_space<semaphore_mem>> -> memref<1x!tpu.dma_semaphore, #tpu.memory_space<semaphore_mem>>
      %dma_wait3A_637 = tpu.memref_squeeze %dma_wait3A_636 : memref<1x!tpu.dma_semaphore, #tpu.memory_space<semaphore_mem>> -> memref<!tpu.dma_semaphore, #tpu.memory_space<semaphore_mem>>
      tpu.wait_indirect_dma semaphore(%dma_wait3A_637 : memref<!tpu.dma_semaphore, #tpu.memory_space<semaphore_mem>>) src(%dma_wait3A_635 : memref<1000000x128xf32, #tpu.memory_space<hbm>>) dst(%dma_wait3A_629 : memref<128x128xf32, #tpu.memory_space<vmem>>)
      %dma_start3A_638 = arith.constant 4 : i32
      %dma_start3A_639 = arith.constant 4 : i32
      %dma_start3A_640 = arith.constant 0 : i32
      %dma_start3A_641 = arith.constant 0 : i32
      %dma_start3A_642 = tpu.memref_slice %arg6[%dma_start3A_638, %dma_start3A_640, %dma_start3A_641] : memref<5x128x128xf32, #tpu.memory_space<vmem>> -> memref<1x128x128xf32, #tpu.memory_space<vmem>>
      %dma_start3A_643 = tpu.memref_squeeze %dma_start3A_642 : memref<1x128x128xf32, #tpu.memory_space<vmem>> -> memref<128x128xf32, #tpu.memory_space<vmem>>
      %dma_start3A_644 = arith.constant 0 : i32
      %dma_start3A_645 = tpu.memref_slice %arg4[%mul3A_2, %add3A_623, %dma_start3A_644] : memref<4096x200x128xf32, #tpu.memory_space<hbm>> -> memref<128x1x128xf32, #tpu.memory_space<hbm>>
      %dma_start3A_646 = tpu.memref_squeeze %dma_start3A_645 : memref<128x1x128xf32, #tpu.memory_space<hbm>> -> memref<128x128xf32, #tpu.memory_space<hbm>>
      %dma_start3A_647 = tpu.memref_slice %arg8[%dma_start3A_639] : memref<5x!tpu.dma_semaphore, #tpu.memory_space<semaphore_mem>> -> memref<1x!tpu.dma_semaphore, #tpu.memory_space<semaphore_mem>>
      %dma_start3A_648 = tpu.memref_squeeze %dma_start3A_647 : memref<1x!tpu.dma_semaphore, #tpu.memory_space<semaphore_mem>> -> memref<!tpu.dma_semaphore, #tpu.memory_space<semaphore_mem>>
      %dma_start3A_649 = arith.constant 0 : i32
      %dma_start3A_650 = tpu.memref_slice %arg4[%mul3A_2, %add3A_623, %dma_start3A_649] : memref<4096x200x128xf32, #tpu.memory_space<hbm>> -> memref<128x1x128xf32, #tpu.memory_space<hbm>>
      %dma_start3A_651 = tpu.memref_squeeze %dma_start3A_650 : memref<128x1x128xf32, #tpu.memory_space<hbm>> -> memref<128x128xf32, #tpu.memory_space<hbm>>
      %dma_start3A_652 = arith.constant 0 : i32
      %dma_start3A_653 = arith.constant 0 : i32
      %dma_start3A_654 = tpu.memref_slice %arg6[%dma_start3A_638, %dma_start3A_652, %dma_start3A_653] : memref<5x128x128xf32, #tpu.memory_space<vmem>> -> memref<1x128x128xf32, #tpu.memory_space<vmem>>
      %dma_start3A_655 = tpu.memref_squeeze %dma_start3A_654 : memref<1x128x128xf32, #tpu.memory_space<vmem>> -> memref<128x128xf32, #tpu.memory_space<vmem>>
      tpu.enqueue_dma source(%dma_start3A_655 : memref<128x128xf32, #tpu.memory_space<vmem>>) target(%dma_start3A_651 : memref<128x128xf32, #tpu.memory_space<hbm>>) target_semaphore(%dma_start3A_648 : memref<!tpu.dma_semaphore, #tpu.memory_space<semaphore_mem>>)
      %dma_wait3A_656 = arith.constant 4 : i32
      %dma_wait3A_657 = arith.constant 4 : i32
      %dma_wait3A_658 = arith.constant 0 : i32
      %dma_wait3A_659 = arith.constant 0 : i32
      %dma_wait3A_660 = tpu.memref_slice %arg6[%dma_wait3A_656, %dma_wait3A_658, %dma_wait3A_659] : memref<5x128x128xf32, #tpu.memory_space<vmem>> -> memref<1x128x128xf32, #tpu.memory_space<vmem>>
      %dma_wait3A_661 = tpu.memref_squeeze %dma_wait3A_660 : memref<1x128x128xf32, #tpu.memory_space<vmem>> -> memref<128x128xf32, #tpu.memory_space<vmem>>
      %dma_wait3A_662 = arith.constant 0 : i32
      %dma_wait3A_663 = tpu.memref_slice %arg4[%mul3A_2, %add3A_623, %dma_wait3A_662] : memref<4096x200x128xf32, #tpu.memory_space<hbm>> -> memref<128x1x128xf32, #tpu.memory_space<hbm>>
      %dma_wait3A_664 = tpu.memref_squeeze %dma_wait3A_663 : memref<128x1x128xf32, #tpu.memory_space<hbm>> -> memref<128x128xf32, #tpu.memory_space<hbm>>
      %dma_wait3A_665 = tpu.memref_slice %arg8[%dma_wait3A_657] : memref<5x!tpu.dma_semaphore, #tpu.memory_space<semaphore_mem>> -> memref<1x!tpu.dma_semaphore, #tpu.memory_space<semaphore_mem>>
      %dma_wait3A_666 = tpu.memref_squeeze %dma_wait3A_665 : memref<1x!tpu.dma_semaphore, #tpu.memory_space<semaphore_mem>> -> memref<!tpu.dma_semaphore, #tpu.memory_space<semaphore_mem>>
      %dma_wait3A_667 = arith.constant 0 : i32
      %dma_wait3A_668 = tpu.memref_slice %arg4[%mul3A_2, %add3A_623, %dma_wait3A_667] : memref<4096x200x128xf32, #tpu.memory_space<hbm>> -> memref<128x1x128xf32, #tpu.memory_space<hbm>>
      %dma_wait3A_669 = tpu.memref_squeeze %dma_wait3A_668 : memref<128x1x128xf32, #tpu.memory_space<hbm>> -> memref<128x128xf32, #tpu.memory_space<hbm>>
      %dma_wait3A_670 = arith.constant 0 : i32
      %dma_wait3A_671 = arith.constant 0 : i32
      %dma_wait3A_672 = tpu.memref_slice %arg6[%dma_wait3A_656, %dma_wait3A_670, %dma_wait3A_671] : memref<5x128x128xf32, #tpu.memory_space<vmem>> -> memref<1x128x128xf32, #tpu.memory_space<vmem>>
      %dma_wait3A_673 = tpu.memref_squeeze %dma_wait3A_672 : memref<1x128x128xf32, #tpu.memory_space<vmem>> -> memref<128x128xf32, #tpu.memory_space<vmem>>
      tpu.wait_dma2 semaphore(%dma_wait3A_666 : memref<!tpu.dma_semaphore, #tpu.memory_space<semaphore_mem>>) src(%dma_wait3A_673 : memref<128x128xf32, #tpu.memory_space<vmem>>) dst(%dma_wait3A_669 : memref<128x128xf32, #tpu.memory_space<hbm>>)
      %add3A_674 = arith.constant 5 : i32
      %add3A_675 = arith.addi %add3A_623, %add3A_674 : i32
      %dma_start3A_676 = arith.constant 4 : i32
      %dma_start3A_677 = arith.constant 4 : i32
      %dma_start3A_678 = arith.constant 0 : i32
      %dma_start3A_679 = arith.constant 0 : i32
      %dma_start3A_680 = tpu.memref_slice %arg6[%dma_start3A_676, %dma_start3A_678, %dma_start3A_679] : memref<5x128x128xf32, #tpu.memory_space<vmem>> -> memref<1x128x128xf32, #tpu.memory_space<vmem>>
      %dma_start3A_681 = tpu.memref_squeeze %dma_start3A_680 : memref<1x128x128xf32, #tpu.memory_space<vmem>> -> memref<128x128xf32, #tpu.memory_space<vmem>>
      %dma_start3A_682 = arith.constant 0 : i32
      %dma_start3A_683 = tpu.memref_slice %arg5[%add3A_675, %dma_start3A_682] : memref<200x128xi32, #tpu.memory_space<vmem>> -> memref<1x128xi32, #tpu.memory_space<vmem>>
      %dma_start3A_684 = tpu.memref_squeeze %dma_start3A_683 : memref<1x128xi32, #tpu.memory_space<vmem>> -> memref<128xi32, #tpu.memory_space<vmem>>
      %dma_start3A_685 = arith.constant 0 : i32
      %dma_start3A_686 = arith.constant 0 : i32
      %dma_start3A_687 = tpu.memref_slice %arg3[%dma_start3A_685, %dma_start3A_686] : memref<1000000x128xf32, #tpu.memory_space<hbm>> -> memref<1000000x128xf32, #tpu.memory_space<hbm>>
      %dma_start3A_688 = tpu.memref_slice %arg7[%dma_start3A_677] : memref<5x!tpu.dma_semaphore, #tpu.memory_space<semaphore_mem>> -> memref<1x!tpu.dma_semaphore, #tpu.memory_space<semaphore_mem>>
      %dma_start3A_689 = tpu.memref_squeeze %dma_start3A_688 : memref<1x!tpu.dma_semaphore, #tpu.memory_space<semaphore_mem>> -> memref<!tpu.dma_semaphore, #tpu.memory_space<semaphore_mem>>
      tpu.enqueue_indirect_dma source(%dma_start3A_687 : memref<1000000x128xf32, #tpu.memory_space<hbm>>) target(%dma_start3A_681 : memref<128x128xf32, #tpu.memory_space<vmem>>) offsets(%dma_start3A_684 : memref<128xi32, #tpu.memory_space<vmem>>) semaphore(%dma_start3A_689 : memref<!tpu.dma_semaphore, #tpu.memory_space<semaphore_mem>>)
    }
    %scan3A_80 = arith.constant 39 : i32
    %dma_wait3A = arith.constant 195 : i32
    %dma_wait3A_81 = arith.constant 0 : i32
    %dma_wait3A_82 = arith.constant 0 : i32
    %dma_wait3A_83 = arith.constant 0 : i32
    %dma_wait3A_84 = arith.constant 0 : i32
    %dma_wait3A_85 = tpu.memref_slice %arg6[%dma_wait3A_81, %dma_wait3A_83, %dma_wait3A_84] : memref<5x128x128xf32, #tpu.memory_space<vmem>> -> memref<1x128x128xf32, #tpu.memory_space<vmem>>
    %dma_wait3A_86 = tpu.memref_squeeze %dma_wait3A_85 : memref<1x128x128xf32, #tpu.memory_space<vmem>> -> memref<128x128xf32, #tpu.memory_space<vmem>>
    %dma_wait3A_87 = arith.constant 0 : i32
    %dma_wait3A_88 = tpu.memref_slice %arg5[%dma_wait3A, %dma_wait3A_87] : memref<200x128xi32, #tpu.memory_space<vmem>> -> memref<1x128xi32, #tpu.memory_space<vmem>>
    %dma_wait3A_89 = tpu.memref_squeeze %dma_wait3A_88 : memref<1x128xi32, #tpu.memory_space<vmem>> -> memref<128xi32, #tpu.memory_space<vmem>>
    %dma_wait3A_90 = arith.constant 0 : i32
    %dma_wait3A_91 = arith.constant 0 : i32
    %dma_wait3A_92 = tpu.memref_slice %arg3[%dma_wait3A_90, %dma_wait3A_91] : memref<1000000x128xf32, #tpu.memory_space<hbm>> -> memref<1000000x128xf32, #tpu.memory_space<hbm>>
    %dma_wait3A_93 = tpu.memref_slice %arg7[%dma_wait3A_82] : memref<5x!tpu.dma_semaphore, #tpu.memory_space<semaphore_mem>> -> memref<1x!tpu.dma_semaphore, #tpu.memory_space<semaphore_mem>>
    %dma_wait3A_94 = tpu.memref_squeeze %dma_wait3A_93 : memref<1x!tpu.dma_semaphore, #tpu.memory_space<semaphore_mem>> -> memref<!tpu.dma_semaphore, #tpu.memory_space<semaphore_mem>>
    tpu.wait_indirect_dma semaphore(%dma_wait3A_94 : memref<!tpu.dma_semaphore, #tpu.memory_space<semaphore_mem>>) src(%dma_wait3A_92 : memref<1000000x128xf32, #tpu.memory_space<hbm>>) dst(%dma_wait3A_86 : memref<128x128xf32, #tpu.memory_space<vmem>>)
    %dma_start3A_95 = arith.constant 0 : i32
    %dma_start3A_96 = arith.constant 195 : i32
    %dma_start3A_97 = arith.constant 0 : i32
    %dma_start3A_98 = arith.constant 0 : i32
    %dma_start3A_99 = arith.constant 0 : i32
    %dma_start3A_100 = tpu.memref_slice %arg6[%dma_start3A_95, %dma_start3A_98, %dma_start3A_99] : memref<5x128x128xf32, #tpu.memory_space<vmem>> -> memref<1x128x128xf32, #tpu.memory_space<vmem>>
    %dma_start3A_101 = tpu.memref_squeeze %dma_start3A_100 : memref<1x128x128xf32, #tpu.memory_space<vmem>> -> memref<128x128xf32, #tpu.memory_space<vmem>>
    %dma_start3A_102 = arith.constant 0 : i32
    %dma_start3A_103 = tpu.memref_slice %arg4[%mul3A_2, %dma_start3A_96, %dma_start3A_102] : memref<4096x200x128xf32, #tpu.memory_space<hbm>> -> memref<128x1x128xf32, #tpu.memory_space<hbm>>
    %dma_start3A_104 = tpu.memref_squeeze %dma_start3A_103 : memref<128x1x128xf32, #tpu.memory_space<hbm>> -> memref<128x128xf32, #tpu.memory_space<hbm>>
    %dma_start3A_105 = tpu.memref_slice %arg8[%dma_start3A_97] : memref<5x!tpu.dma_semaphore, #tpu.memory_space<semaphore_mem>> -> memref<1x!tpu.dma_semaphore, #tpu.memory_space<semaphore_mem>>
    %dma_start3A_106 = tpu.memref_squeeze %dma_start3A_105 : memref<1x!tpu.dma_semaphore, #tpu.memory_space<semaphore_mem>> -> memref<!tpu.dma_semaphore, #tpu.memory_space<semaphore_mem>>
    %dma_start3A_107 = arith.constant 0 : i32
    %dma_start3A_108 = tpu.memref_slice %arg4[%mul3A_2, %dma_start3A_96, %dma_start3A_107] : memref<4096x200x128xf32, #tpu.memory_space<hbm>> -> memref<128x1x128xf32, #tpu.memory_space<hbm>>
    %dma_start3A_109 = tpu.memref_squeeze %dma_start3A_108 : memref<128x1x128xf32, #tpu.memory_space<hbm>> -> memref<128x128xf32, #tpu.memory_space<hbm>>
    %dma_start3A_110 = arith.constant 0 : i32
    %dma_start3A_111 = arith.constant 0 : i32
    %dma_start3A_112 = tpu.memref_slice %arg6[%dma_start3A_95, %dma_start3A_110, %dma_start3A_111] : memref<5x128x128xf32, #tpu.memory_space<vmem>> -> memref<1x128x128xf32, #tpu.memory_space<vmem>>
    %dma_start3A_113 = tpu.memref_squeeze %dma_start3A_112 : memref<1x128x128xf32, #tpu.memory_space<vmem>> -> memref<128x128xf32, #tpu.memory_space<vmem>>
    tpu.enqueue_dma source(%dma_start3A_113 : memref<128x128xf32, #tpu.memory_space<vmem>>) target(%dma_start3A_109 : memref<128x128xf32, #tpu.memory_space<hbm>>) target_semaphore(%dma_start3A_106 : memref<!tpu.dma_semaphore, #tpu.memory_space<semaphore_mem>>)
    %dma_wait3A_114 = arith.constant 196 : i32
    %dma_wait3A_115 = arith.constant 1 : i32
    %dma_wait3A_116 = arith.constant 1 : i32
    %dma_wait3A_117 = arith.constant 0 : i32
    %dma_wait3A_118 = arith.constant 0 : i32
    %dma_wait3A_119 = tpu.memref_slice %arg6[%dma_wait3A_115, %dma_wait3A_117, %dma_wait3A_118] : memref<5x128x128xf32, #tpu.memory_space<vmem>> -> memref<1x128x128xf32, #tpu.memory_space<vmem>>
    %dma_wait3A_120 = tpu.memref_squeeze %dma_wait3A_119 : memref<1x128x128xf32, #tpu.memory_space<vmem>> -> memref<128x128xf32, #tpu.memory_space<vmem>>
    %dma_wait3A_121 = arith.constant 0 : i32
    %dma_wait3A_122 = tpu.memref_slice %arg5[%dma_wait3A_114, %dma_wait3A_121] : memref<200x128xi32, #tpu.memory_space<vmem>> -> memref<1x128xi32, #tpu.memory_space<vmem>>
    %dma_wait3A_123 = tpu.memref_squeeze %dma_wait3A_122 : memref<1x128xi32, #tpu.memory_space<vmem>> -> memref<128xi32, #tpu.memory_space<vmem>>
    %dma_wait3A_124 = arith.constant 0 : i32
    %dma_wait3A_125 = arith.constant 0 : i32
    %dma_wait3A_126 = tpu.memref_slice %arg3[%dma_wait3A_124, %dma_wait3A_125] : memref<1000000x128xf32, #tpu.memory_space<hbm>> -> memref<1000000x128xf32, #tpu.memory_space<hbm>>
    %dma_wait3A_127 = tpu.memref_slice %arg7[%dma_wait3A_116] : memref<5x!tpu.dma_semaphore, #tpu.memory_space<semaphore_mem>> -> memref<1x!tpu.dma_semaphore, #tpu.memory_space<semaphore_mem>>
    %dma_wait3A_128 = tpu.memref_squeeze %dma_wait3A_127 : memref<1x!tpu.dma_semaphore, #tpu.memory_space<semaphore_mem>> -> memref<!tpu.dma_semaphore, #tpu.memory_space<semaphore_mem>>
    tpu.wait_indirect_dma semaphore(%dma_wait3A_128 : memref<!tpu.dma_semaphore, #tpu.memory_space<semaphore_mem>>) src(%dma_wait3A_126 : memref<1000000x128xf32, #tpu.memory_space<hbm>>) dst(%dma_wait3A_120 : memref<128x128xf32, #tpu.memory_space<vmem>>)
    %dma_start3A_129 = arith.constant 1 : i32
    %dma_start3A_130 = arith.constant 196 : i32
    %dma_start3A_131 = arith.constant 1 : i32
    %dma_start3A_132 = arith.constant 0 : i32
    %dma_start3A_133 = arith.constant 0 : i32
    %dma_start3A_134 = tpu.memref_slice %arg6[%dma_start3A_129, %dma_start3A_132, %dma_start3A_133] : memref<5x128x128xf32, #tpu.memory_space<vmem>> -> memref<1x128x128xf32, #tpu.memory_space<vmem>>
    %dma_start3A_135 = tpu.memref_squeeze %dma_start3A_134 : memref<1x128x128xf32, #tpu.memory_space<vmem>> -> memref<128x128xf32, #tpu.memory_space<vmem>>
    %dma_start3A_136 = arith.constant 0 : i32
    %dma_start3A_137 = tpu.memref_slice %arg4[%mul3A_2, %dma_start3A_130, %dma_start3A_136] : memref<4096x200x128xf32, #tpu.memory_space<hbm>> -> memref<128x1x128xf32, #tpu.memory_space<hbm>>
    %dma_start3A_138 = tpu.memref_squeeze %dma_start3A_137 : memref<128x1x128xf32, #tpu.memory_space<hbm>> -> memref<128x128xf32, #tpu.memory_space<hbm>>
    %dma_start3A_139 = tpu.memref_slice %arg8[%dma_start3A_131] : memref<5x!tpu.dma_semaphore, #tpu.memory_space<semaphore_mem>> -> memref<1x!tpu.dma_semaphore, #tpu.memory_space<semaphore_mem>>
    %dma_start3A_140 = tpu.memref_squeeze %dma_start3A_139 : memref<1x!tpu.dma_semaphore, #tpu.memory_space<semaphore_mem>> -> memref<!tpu.dma_semaphore, #tpu.memory_space<semaphore_mem>>
    %dma_start3A_141 = arith.constant 0 : i32
    %dma_start3A_142 = tpu.memref_slice %arg4[%mul3A_2, %dma_start3A_130, %dma_start3A_141] : memref<4096x200x128xf32, #tpu.memory_space<hbm>> -> memref<128x1x128xf32, #tpu.memory_space<hbm>>
    %dma_start3A_143 = tpu.memref_squeeze %dma_start3A_142 : memref<128x1x128xf32, #tpu.memory_space<hbm>> -> memref<128x128xf32, #tpu.memory_space<hbm>>
    %dma_start3A_144 = arith.constant 0 : i32
    %dma_start3A_145 = arith.constant 0 : i32
    %dma_start3A_146 = tpu.memref_slice %arg6[%dma_start3A_129, %dma_start3A_144, %dma_start3A_145] : memref<5x128x128xf32, #tpu.memory_space<vmem>> -> memref<1x128x128xf32, #tpu.memory_space<vmem>>
    %dma_start3A_147 = tpu.memref_squeeze %dma_start3A_146 : memref<1x128x128xf32, #tpu.memory_space<vmem>> -> memref<128x128xf32, #tpu.memory_space<vmem>>
    tpu.enqueue_dma source(%dma_start3A_147 : memref<128x128xf32, #tpu.memory_space<vmem>>) target(%dma_start3A_143 : memref<128x128xf32, #tpu.memory_space<hbm>>) target_semaphore(%dma_start3A_140 : memref<!tpu.dma_semaphore, #tpu.memory_space<semaphore_mem>>)
    %dma_wait3A_148 = arith.constant 197 : i32
    %dma_wait3A_149 = arith.constant 2 : i32
    %dma_wait3A_150 = arith.constant 2 : i32
    %dma_wait3A_151 = arith.constant 0 : i32
    %dma_wait3A_152 = arith.constant 0 : i32
    %dma_wait3A_153 = tpu.memref_slice %arg6[%dma_wait3A_149, %dma_wait3A_151, %dma_wait3A_152] : memref<5x128x128xf32, #tpu.memory_space<vmem>> -> memref<1x128x128xf32, #tpu.memory_space<vmem>>
    %dma_wait3A_154 = tpu.memref_squeeze %dma_wait3A_153 : memref<1x128x128xf32, #tpu.memory_space<vmem>> -> memref<128x128xf32, #tpu.memory_space<vmem>>
    %dma_wait3A_155 = arith.constant 0 : i32
    %dma_wait3A_156 = tpu.memref_slice %arg5[%dma_wait3A_148, %dma_wait3A_155] : memref<200x128xi32, #tpu.memory_space<vmem>> -> memref<1x128xi32, #tpu.memory_space<vmem>>
    %dma_wait3A_157 = tpu.memref_squeeze %dma_wait3A_156 : memref<1x128xi32, #tpu.memory_space<vmem>> -> memref<128xi32, #tpu.memory_space<vmem>>
    %dma_wait3A_158 = arith.constant 0 : i32
    %dma_wait3A_159 = arith.constant 0 : i32
    %dma_wait3A_160 = tpu.memref_slice %arg3[%dma_wait3A_158, %dma_wait3A_159] : memref<1000000x128xf32, #tpu.memory_space<hbm>> -> memref<1000000x128xf32, #tpu.memory_space<hbm>>
    %dma_wait3A_161 = tpu.memref_slice %arg7[%dma_wait3A_150] : memref<5x!tpu.dma_semaphore, #tpu.memory_space<semaphore_mem>> -> memref<1x!tpu.dma_semaphore, #tpu.memory_space<semaphore_mem>>
    %dma_wait3A_162 = tpu.memref_squeeze %dma_wait3A_161 : memref<1x!tpu.dma_semaphore, #tpu.memory_space<semaphore_mem>> -> memref<!tpu.dma_semaphore, #tpu.memory_space<semaphore_mem>>
    tpu.wait_indirect_dma semaphore(%dma_wait3A_162 : memref<!tpu.dma_semaphore, #tpu.memory_space<semaphore_mem>>) src(%dma_wait3A_160 : memref<1000000x128xf32, #tpu.memory_space<hbm>>) dst(%dma_wait3A_154 : memref<128x128xf32, #tpu.memory_space<vmem>>)
    %dma_start3A_163 = arith.constant 2 : i32
    %dma_start3A_164 = arith.constant 197 : i32
    %dma_start3A_165 = arith.constant 2 : i32
    %dma_start3A_166 = arith.constant 0 : i32
    %dma_start3A_167 = arith.constant 0 : i32
    %dma_start3A_168 = tpu.memref_slice %arg6[%dma_start3A_163, %dma_start3A_166, %dma_start3A_167] : memref<5x128x128xf32, #tpu.memory_space<vmem>> -> memref<1x128x128xf32, #tpu.memory_space<vmem>>
    %dma_start3A_169 = tpu.memref_squeeze %dma_start3A_168 : memref<1x128x128xf32, #tpu.memory_space<vmem>> -> memref<128x128xf32, #tpu.memory_space<vmem>>
    %dma_start3A_170 = arith.constant 0 : i32
    %dma_start3A_171 = tpu.memref_slice %arg4[%mul3A_2, %dma_start3A_164, %dma_start3A_170] : memref<4096x200x128xf32, #tpu.memory_space<hbm>> -> memref<128x1x128xf32, #tpu.memory_space<hbm>>
    %dma_start3A_172 = tpu.memref_squeeze %dma_start3A_171 : memref<128x1x128xf32, #tpu.memory_space<hbm>> -> memref<128x128xf32, #tpu.memory_space<hbm>>
    %dma_start3A_173 = tpu.memref_slice %arg8[%dma_start3A_165] : memref<5x!tpu.dma_semaphore, #tpu.memory_space<semaphore_mem>> -> memref<1x!tpu.dma_semaphore, #tpu.memory_space<semaphore_mem>>
    %dma_start3A_174 = tpu.memref_squeeze %dma_start3A_173 : memref<1x!tpu.dma_semaphore, #tpu.memory_space<semaphore_mem>> -> memref<!tpu.dma_semaphore, #tpu.memory_space<semaphore_mem>>
    %dma_start3A_175 = arith.constant 0 : i32
    %dma_start3A_176 = tpu.memref_slice %arg4[%mul3A_2, %dma_start3A_164, %dma_start3A_175] : memref<4096x200x128xf32, #tpu.memory_space<hbm>> -> memref<128x1x128xf32, #tpu.memory_space<hbm>>
    %dma_start3A_177 = tpu.memref_squeeze %dma_start3A_176 : memref<128x1x128xf32, #tpu.memory_space<hbm>> -> memref<128x128xf32, #tpu.memory_space<hbm>>
    %dma_start3A_178 = arith.constant 0 : i32
    %dma_start3A_179 = arith.constant 0 : i32
    %dma_start3A_180 = tpu.memref_slice %arg6[%dma_start3A_163, %dma_start3A_178, %dma_start3A_179] : memref<5x128x128xf32, #tpu.memory_space<vmem>> -> memref<1x128x128xf32, #tpu.memory_space<vmem>>
    %dma_start3A_181 = tpu.memref_squeeze %dma_start3A_180 : memref<1x128x128xf32, #tpu.memory_space<vmem>> -> memref<128x128xf32, #tpu.memory_space<vmem>>
    tpu.enqueue_dma source(%dma_start3A_181 : memref<128x128xf32, #tpu.memory_space<vmem>>) target(%dma_start3A_177 : memref<128x128xf32, #tpu.memory_space<hbm>>) target_semaphore(%dma_start3A_174 : memref<!tpu.dma_semaphore, #tpu.memory_space<semaphore_mem>>)
    %dma_wait3A_182 = arith.constant 198 : i32
    %dma_wait3A_183 = arith.constant 3 : i32
    %dma_wait3A_184 = arith.constant 3 : i32
    %dma_wait3A_185 = arith.constant 0 : i32
    %dma_wait3A_186 = arith.constant 0 : i32
    %dma_wait3A_187 = tpu.memref_slice %arg6[%dma_wait3A_183, %dma_wait3A_185, %dma_wait3A_186] : memref<5x128x128xf32, #tpu.memory_space<vmem>> -> memref<1x128x128xf32, #tpu.memory_space<vmem>>
    %dma_wait3A_188 = tpu.memref_squeeze %dma_wait3A_187 : memref<1x128x128xf32, #tpu.memory_space<vmem>> -> memref<128x128xf32, #tpu.memory_space<vmem>>
    %dma_wait3A_189 = arith.constant 0 : i32
    %dma_wait3A_190 = tpu.memref_slice %arg5[%dma_wait3A_182, %dma_wait3A_189] : memref<200x128xi32, #tpu.memory_space<vmem>> -> memref<1x128xi32, #tpu.memory_space<vmem>>
    %dma_wait3A_191 = tpu.memref_squeeze %dma_wait3A_190 : memref<1x128xi32, #tpu.memory_space<vmem>> -> memref<128xi32, #tpu.memory_space<vmem>>
    %dma_wait3A_192 = arith.constant 0 : i32
    %dma_wait3A_193 = arith.constant 0 : i32
    %dma_wait3A_194 = tpu.memref_slice %arg3[%dma_wait3A_192, %dma_wait3A_193] : memref<1000000x128xf32, #tpu.memory_space<hbm>> -> memref<1000000x128xf32, #tpu.memory_space<hbm>>
    %dma_wait3A_195 = tpu.memref_slice %arg7[%dma_wait3A_184] : memref<5x!tpu.dma_semaphore, #tpu.memory_space<semaphore_mem>> -> memref<1x!tpu.dma_semaphore, #tpu.memory_space<semaphore_mem>>
    %dma_wait3A_196 = tpu.memref_squeeze %dma_wait3A_195 : memref<1x!tpu.dma_semaphore, #tpu.memory_space<semaphore_mem>> -> memref<!tpu.dma_semaphore, #tpu.memory_space<semaphore_mem>>
    tpu.wait_indirect_dma semaphore(%dma_wait3A_196 : memref<!tpu.dma_semaphore, #tpu.memory_space<semaphore_mem>>) src(%dma_wait3A_194 : memref<1000000x128xf32, #tpu.memory_space<hbm>>) dst(%dma_wait3A_188 : memref<128x128xf32, #tpu.memory_space<vmem>>)
    %dma_start3A_197 = arith.constant 3 : i32
    %dma_start3A_198 = arith.constant 198 : i32
    %dma_start3A_199 = arith.constant 3 : i32
    %dma_start3A_200 = arith.constant 0 : i32
    %dma_start3A_201 = arith.constant 0 : i32
    %dma_start3A_202 = tpu.memref_slice %arg6[%dma_start3A_197, %dma_start3A_200, %dma_start3A_201] : memref<5x128x128xf32, #tpu.memory_space<vmem>> -> memref<1x128x128xf32, #tpu.memory_space<vmem>>
    %dma_start3A_203 = tpu.memref_squeeze %dma_start3A_202 : memref<1x128x128xf32, #tpu.memory_space<vmem>> -> memref<128x128xf32, #tpu.memory_space<vmem>>
    %dma_start3A_204 = arith.constant 0 : i32
    %dma_start3A_205 = tpu.memref_slice %arg4[%mul3A_2, %dma_start3A_198, %dma_start3A_204] : memref<4096x200x128xf32, #tpu.memory_space<hbm>> -> memref<128x1x128xf32, #tpu.memory_space<hbm>>
    %dma_start3A_206 = tpu.memref_squeeze %dma_start3A_205 : memref<128x1x128xf32, #tpu.memory_space<hbm>> -> memref<128x128xf32, #tpu.memory_space<hbm>>
    %dma_start3A_207 = tpu.memref_slice %arg8[%dma_start3A_199] : memref<5x!tpu.dma_semaphore, #tpu.memory_space<semaphore_mem>> -> memref<1x!tpu.dma_semaphore, #tpu.memory_space<semaphore_mem>>
    %dma_start3A_208 = tpu.memref_squeeze %dma_start3A_207 : memref<1x!tpu.dma_semaphore, #tpu.memory_space<semaphore_mem>> -> memref<!tpu.dma_semaphore, #tpu.memory_space<semaphore_mem>>
    %dma_start3A_209 = arith.constant 0 : i32
    %dma_start3A_210 = tpu.memref_slice %arg4[%mul3A_2, %dma_start3A_198, %dma_start3A_209] : memref<4096x200x128xf32, #tpu.memory_space<hbm>> -> memref<128x1x128xf32, #tpu.memory_space<hbm>>
    %dma_start3A_211 = tpu.memref_squeeze %dma_start3A_210 : memref<128x1x128xf32, #tpu.memory_space<hbm>> -> memref<128x128xf32, #tpu.memory_space<hbm>>
    %dma_start3A_212 = arith.constant 0 : i32
    %dma_start3A_213 = arith.constant 0 : i32
    %dma_start3A_214 = tpu.memref_slice %arg6[%dma_start3A_197, %dma_start3A_212, %dma_start3A_213] : memref<5x128x128xf32, #tpu.memory_space<vmem>> -> memref<1x128x128xf32, #tpu.memory_space<vmem>>
    %dma_start3A_215 = tpu.memref_squeeze %dma_start3A_214 : memref<1x128x128xf32, #tpu.memory_space<vmem>> -> memref<128x128xf32, #tpu.memory_space<vmem>>
    tpu.enqueue_dma source(%dma_start3A_215 : memref<128x128xf32, #tpu.memory_space<vmem>>) target(%dma_start3A_211 : memref<128x128xf32, #tpu.memory_space<hbm>>) target_semaphore(%dma_start3A_208 : memref<!tpu.dma_semaphore, #tpu.memory_space<semaphore_mem>>)
    %dma_wait3A_216 = arith.constant 199 : i32
    %dma_wait3A_217 = arith.constant 4 : i32
    %dma_wait3A_218 = arith.constant 4 : i32
    %dma_wait3A_219 = arith.constant 0 : i32
    %dma_wait3A_220 = arith.constant 0 : i32
    %dma_wait3A_221 = tpu.memref_slice %arg6[%dma_wait3A_217, %dma_wait3A_219, %dma_wait3A_220] : memref<5x128x128xf32, #tpu.memory_space<vmem>> -> memref<1x128x128xf32, #tpu.memory_space<vmem>>
    %dma_wait3A_222 = tpu.memref_squeeze %dma_wait3A_221 : memref<1x128x128xf32, #tpu.memory_space<vmem>> -> memref<128x128xf32, #tpu.memory_space<vmem>>
    %dma_wait3A_223 = arith.constant 0 : i32
    %dma_wait3A_224 = tpu.memref_slice %arg5[%dma_wait3A_216, %dma_wait3A_223] : memref<200x128xi32, #tpu.memory_space<vmem>> -> memref<1x128xi32, #tpu.memory_space<vmem>>
    %dma_wait3A_225 = tpu.memref_squeeze %dma_wait3A_224 : memref<1x128xi32, #tpu.memory_space<vmem>> -> memref<128xi32, #tpu.memory_space<vmem>>
    %dma_wait3A_226 = arith.constant 0 : i32
    %dma_wait3A_227 = arith.constant 0 : i32
    %dma_wait3A_228 = tpu.memref_slice %arg3[%dma_wait3A_226, %dma_wait3A_227] : memref<1000000x128xf32, #tpu.memory_space<hbm>> -> memref<1000000x128xf32, #tpu.memory_space<hbm>>
    %dma_wait3A_229 = tpu.memref_slice %arg7[%dma_wait3A_218] : memref<5x!tpu.dma_semaphore, #tpu.memory_space<semaphore_mem>> -> memref<1x!tpu.dma_semaphore, #tpu.memory_space<semaphore_mem>>
    %dma_wait3A_230 = tpu.memref_squeeze %dma_wait3A_229 : memref<1x!tpu.dma_semaphore, #tpu.memory_space<semaphore_mem>> -> memref<!tpu.dma_semaphore, #tpu.memory_space<semaphore_mem>>
    tpu.wait_indirect_dma semaphore(%dma_wait3A_230 : memref<!tpu.dma_semaphore, #tpu.memory_space<semaphore_mem>>) src(%dma_wait3A_228 : memref<1000000x128xf32, #tpu.memory_space<hbm>>) dst(%dma_wait3A_222 : memref<128x128xf32, #tpu.memory_space<vmem>>)
    %dma_start3A_231 = arith.constant 4 : i32
    %dma_start3A_232 = arith.constant 199 : i32
    %dma_start3A_233 = arith.constant 4 : i32
    %dma_start3A_234 = arith.constant 0 : i32
    %dma_start3A_235 = arith.constant 0 : i32
    %dma_start3A_236 = tpu.memref_slice %arg6[%dma_start3A_231, %dma_start3A_234, %dma_start3A_235] : memref<5x128x128xf32, #tpu.memory_space<vmem>> -> memref<1x128x128xf32, #tpu.memory_space<vmem>>
    %dma_start3A_237 = tpu.memref_squeeze %dma_start3A_236 : memref<1x128x128xf32, #tpu.memory_space<vmem>> -> memref<128x128xf32, #tpu.memory_space<vmem>>
    %dma_start3A_238 = arith.constant 0 : i32
    %dma_start3A_239 = tpu.memref_slice %arg4[%mul3A_2, %dma_start3A_232, %dma_start3A_238] : memref<4096x200x128xf32, #tpu.memory_space<hbm>> -> memref<128x1x128xf32, #tpu.memory_space<hbm>>
    %dma_start3A_240 = tpu.memref_squeeze %dma_start3A_239 : memref<128x1x128xf32, #tpu.memory_space<hbm>> -> memref<128x128xf32, #tpu.memory_space<hbm>>
    %dma_start3A_241 = tpu.memref_slice %arg8[%dma_start3A_233] : memref<5x!tpu.dma_semaphore, #tpu.memory_space<semaphore_mem>> -> memref<1x!tpu.dma_semaphore, #tpu.memory_space<semaphore_mem>>
    %dma_start3A_242 = tpu.memref_squeeze %dma_start3A_241 : memref<1x!tpu.dma_semaphore, #tpu.memory_space<semaphore_mem>> -> memref<!tpu.dma_semaphore, #tpu.memory_space<semaphore_mem>>
    %dma_start3A_243 = arith.constant 0 : i32
    %dma_start3A_244 = tpu.memref_slice %arg4[%mul3A_2, %dma_start3A_232, %dma_start3A_243] : memref<4096x200x128xf32, #tpu.memory_space<hbm>> -> memref<128x1x128xf32, #tpu.memory_space<hbm>>
    %dma_start3A_245 = tpu.memref_squeeze %dma_start3A_244 : memref<128x1x128xf32, #tpu.memory_space<hbm>> -> memref<128x128xf32, #tpu.memory_space<hbm>>
    %dma_start3A_246 = arith.constant 0 : i32
    %dma_start3A_247 = arith.constant 0 : i32
    %dma_start3A_248 = tpu.memref_slice %arg6[%dma_start3A_231, %dma_start3A_246, %dma_start3A_247] : memref<5x128x128xf32, #tpu.memory_space<vmem>> -> memref<1x128x128xf32, #tpu.memory_space<vmem>>
    %dma_start3A_249 = tpu.memref_squeeze %dma_start3A_248 : memref<1x128x128xf32, #tpu.memory_space<vmem>> -> memref<128x128xf32, #tpu.memory_space<vmem>>
    tpu.enqueue_dma source(%dma_start3A_249 : memref<128x128xf32, #tpu.memory_space<vmem>>) target(%dma_start3A_245 : memref<128x128xf32, #tpu.memory_space<hbm>>) target_semaphore(%dma_start3A_242 : memref<!tpu.dma_semaphore, #tpu.memory_space<semaphore_mem>>)
    %dma_wait3A_250 = arith.constant 0 : i32
    %dma_wait3A_251 = arith.constant 195 : i32
    %dma_wait3A_252 = arith.constant 0 : i32
    %dma_wait3A_253 = arith.constant 0 : i32
    %dma_wait3A_254 = arith.constant 0 : i32
    %dma_wait3A_255 = tpu.memref_slice %arg6[%dma_wait3A_250, %dma_wait3A_253, %dma_wait3A_254] : memref<5x128x128xf32, #tpu.memory_space<vmem>> -> memref<1x128x128xf32, #tpu.memory_space<vmem>>
    %dma_wait3A_256 = tpu.memref_squeeze %dma_wait3A_255 : memref<1x128x128xf32, #tpu.memory_space<vmem>> -> memref<128x128xf32, #tpu.memory_space<vmem>>
    %dma_wait3A_257 = arith.constant 0 : i32
    %dma_wait3A_258 = tpu.memref_slice %arg4[%mul3A_2, %dma_wait3A_251, %dma_wait3A_257] : memref<4096x200x128xf32, #tpu.memory_space<hbm>> -> memref<128x1x128xf32, #tpu.memory_space<hbm>>
    %dma_wait3A_259 = tpu.memref_squeeze %dma_wait3A_258 : memref<128x1x128xf32, #tpu.memory_space<hbm>> -> memref<128x128xf32, #tpu.memory_space<hbm>>
    %dma_wait3A_260 = tpu.memref_slice %arg8[%dma_wait3A_252] : memref<5x!tpu.dma_semaphore, #tpu.memory_space<semaphore_mem>> -> memref<1x!tpu.dma_semaphore, #tpu.memory_space<semaphore_mem>>
    %dma_wait3A_261 = tpu.memref_squeeze %dma_wait3A_260 : memref<1x!tpu.dma_semaphore, #tpu.memory_space<semaphore_mem>> -> memref<!tpu.dma_semaphore, #tpu.memory_space<semaphore_mem>>
    %dma_wait3A_262 = arith.constant 0 : i32
    %dma_wait3A_263 = tpu.memref_slice %arg4[%mul3A_2, %dma_wait3A_251, %dma_wait3A_262] : memref<4096x200x128xf32, #tpu.memory_space<hbm>> -> memref<128x1x128xf32, #tpu.memory_space<hbm>>
    %dma_wait3A_264 = tpu.memref_squeeze %dma_wait3A_263 : memref<128x1x128xf32, #tpu.memory_space<hbm>> -> memref<128x128xf32, #tpu.memory_space<hbm>>
    %dma_wait3A_265 = arith.constant 0 : i32
    %dma_wait3A_266 = arith.constant 0 : i32
    %dma_wait3A_267 = tpu.memref_slice %arg6[%dma_wait3A_250, %dma_wait3A_265, %dma_wait3A_266] : memref<5x128x128xf32, #tpu.memory_space<vmem>> -> memref<1x128x128xf32, #tpu.memory_space<vmem>>
    %dma_wait3A_268 = tpu.memref_squeeze %dma_wait3A_267 : memref<1x128x128xf32, #tpu.memory_space<vmem>> -> memref<128x128xf32, #tpu.memory_space<vmem>>
    tpu.wait_dma2 semaphore(%dma_wait3A_261 : memref<!tpu.dma_semaphore, #tpu.memory_space<semaphore_mem>>) src(%dma_wait3A_268 : memref<128x128xf32, #tpu.memory_space<vmem>>) dst(%dma_wait3A_264 : memref<128x128xf32, #tpu.memory_space<hbm>>)
    %dma_wait3A_269 = arith.constant 1 : i32
    %dma_wait3A_270 = arith.constant 196 : i32
    %dma_wait3A_271 = arith.constant 1 : i32
    %dma_wait3A_272 = arith.constant 0 : i32
    %dma_wait3A_273 = arith.constant 0 : i32
    %dma_wait3A_274 = tpu.memref_slice %arg6[%dma_wait3A_269, %dma_wait3A_272, %dma_wait3A_273] : memref<5x128x128xf32, #tpu.memory_space<vmem>> -> memref<1x128x128xf32, #tpu.memory_space<vmem>>
    %dma_wait3A_275 = tpu.memref_squeeze %dma_wait3A_274 : memref<1x128x128xf32, #tpu.memory_space<vmem>> -> memref<128x128xf32, #tpu.memory_space<vmem>>
    %dma_wait3A_276 = arith.constant 0 : i32
    %dma_wait3A_277 = tpu.memref_slice %arg4[%mul3A_2, %dma_wait3A_270, %dma_wait3A_276] : memref<4096x200x128xf32, #tpu.memory_space<hbm>> -> memref<128x1x128xf32, #tpu.memory_space<hbm>>
    %dma_wait3A_278 = tpu.memref_squeeze %dma_wait3A_277 : memref<128x1x128xf32, #tpu.memory_space<hbm>> -> memref<128x128xf32, #tpu.memory_space<hbm>>
    %dma_wait3A_279 = tpu.memref_slice %arg8[%dma_wait3A_271] : memref<5x!tpu.dma_semaphore, #tpu.memory_space<semaphore_mem>> -> memref<1x!tpu.dma_semaphore, #tpu.memory_space<semaphore_mem>>
    %dma_wait3A_280 = tpu.memref_squeeze %dma_wait3A_279 : memref<1x!tpu.dma_semaphore, #tpu.memory_space<semaphore_mem>> -> memref<!tpu.dma_semaphore, #tpu.memory_space<semaphore_mem>>
    %dma_wait3A_281 = arith.constant 0 : i32
    %dma_wait3A_282 = tpu.memref_slice %arg4[%mul3A_2, %dma_wait3A_270, %dma_wait3A_281] : memref<4096x200x128xf32, #tpu.memory_space<hbm>> -> memref<128x1x128xf32, #tpu.memory_space<hbm>>
    %dma_wait3A_283 = tpu.memref_squeeze %dma_wait3A_282 : memref<128x1x128xf32, #tpu.memory_space<hbm>> -> memref<128x128xf32, #tpu.memory_space<hbm>>
    %dma_wait3A_284 = arith.constant 0 : i32
    %dma_wait3A_285 = arith.constant 0 : i32
    %dma_wait3A_286 = tpu.memref_slice %arg6[%dma_wait3A_269, %dma_wait3A_284, %dma_wait3A_285] : memref<5x128x128xf32, #tpu.memory_space<vmem>> -> memref<1x128x128xf32, #tpu.memory_space<vmem>>
    %dma_wait3A_287 = tpu.memref_squeeze %dma_wait3A_286 : memref<1x128x128xf32, #tpu.memory_space<vmem>> -> memref<128x128xf32, #tpu.memory_space<vmem>>
    tpu.wait_dma2 semaphore(%dma_wait3A_280 : memref<!tpu.dma_semaphore, #tpu.memory_space<semaphore_mem>>) src(%dma_wait3A_287 : memref<128x128xf32, #tpu.memory_space<vmem>>) dst(%dma_wait3A_283 : memref<128x128xf32, #tpu.memory_space<hbm>>)
    %dma_wait3A_288 = arith.constant 2 : i32
    %dma_wait3A_289 = arith.constant 197 : i32
    %dma_wait3A_290 = arith.constant 2 : i32
    %dma_wait3A_291 = arith.constant 0 : i32
    %dma_wait3A_292 = arith.constant 0 : i32
    %dma_wait3A_293 = tpu.memref_slice %arg6[%dma_wait3A_288, %dma_wait3A_291, %dma_wait3A_292] : memref<5x128x128xf32, #tpu.memory_space<vmem>> -> memref<1x128x128xf32, #tpu.memory_space<vmem>>
    %dma_wait3A_294 = tpu.memref_squeeze %dma_wait3A_293 : memref<1x128x128xf32, #tpu.memory_space<vmem>> -> memref<128x128xf32, #tpu.memory_space<vmem>>
    %dma_wait3A_295 = arith.constant 0 : i32
    %dma_wait3A_296 = tpu.memref_slice %arg4[%mul3A_2, %dma_wait3A_289, %dma_wait3A_295] : memref<4096x200x128xf32, #tpu.memory_space<hbm>> -> memref<128x1x128xf32, #tpu.memory_space<hbm>>
    %dma_wait3A_297 = tpu.memref_squeeze %dma_wait3A_296 : memref<128x1x128xf32, #tpu.memory_space<hbm>> -> memref<128x128xf32, #tpu.memory_space<hbm>>
    %dma_wait3A_298 = tpu.memref_slice %arg8[%dma_wait3A_290] : memref<5x!tpu.dma_semaphore, #tpu.memory_space<semaphore_mem>> -> memref<1x!tpu.dma_semaphore, #tpu.memory_space<semaphore_mem>>
    %dma_wait3A_299 = tpu.memref_squeeze %dma_wait3A_298 : memref<1x!tpu.dma_semaphore, #tpu.memory_space<semaphore_mem>> -> memref<!tpu.dma_semaphore, #tpu.memory_space<semaphore_mem>>
    %dma_wait3A_300 = arith.constant 0 : i32
    %dma_wait3A_301 = tpu.memref_slice %arg4[%mul3A_2, %dma_wait3A_289, %dma_wait3A_300] : memref<4096x200x128xf32, #tpu.memory_space<hbm>> -> memref<128x1x128xf32, #tpu.memory_space<hbm>>
    %dma_wait3A_302 = tpu.memref_squeeze %dma_wait3A_301 : memref<128x1x128xf32, #tpu.memory_space<hbm>> -> memref<128x128xf32, #tpu.memory_space<hbm>>
    %dma_wait3A_303 = arith.constant 0 : i32
    %dma_wait3A_304 = arith.constant 0 : i32
    %dma_wait3A_305 = tpu.memref_slice %arg6[%dma_wait3A_288, %dma_wait3A_303, %dma_wait3A_304] : memref<5x128x128xf32, #tpu.memory_space<vmem>> -> memref<1x128x128xf32, #tpu.memory_space<vmem>>
    %dma_wait3A_306 = tpu.memref_squeeze %dma_wait3A_305 : memref<1x128x128xf32, #tpu.memory_space<vmem>> -> memref<128x128xf32, #tpu.memory_space<vmem>>
    tpu.wait_dma2 semaphore(%dma_wait3A_299 : memref<!tpu.dma_semaphore, #tpu.memory_space<semaphore_mem>>) src(%dma_wait3A_306 : memref<128x128xf32, #tpu.memory_space<vmem>>) dst(%dma_wait3A_302 : memref<128x128xf32, #tpu.memory_space<hbm>>)
    %dma_wait3A_307 = arith.constant 3 : i32
    %dma_wait3A_308 = arith.constant 198 : i32
    %dma_wait3A_309 = arith.constant 3 : i32
    %dma_wait3A_310 = arith.constant 0 : i32
    %dma_wait3A_311 = arith.constant 0 : i32
    %dma_wait3A_312 = tpu.memref_slice %arg6[%dma_wait3A_307, %dma_wait3A_310, %dma_wait3A_311] : memref<5x128x128xf32, #tpu.memory_space<vmem>> -> memref<1x128x128xf32, #tpu.memory_space<vmem>>
    %dma_wait3A_313 = tpu.memref_squeeze %dma_wait3A_312 : memref<1x128x128xf32, #tpu.memory_space<vmem>> -> memref<128x128xf32, #tpu.memory_space<vmem>>
    %dma_wait3A_314 = arith.constant 0 : i32
    %dma_wait3A_315 = tpu.memref_slice %arg4[%mul3A_2, %dma_wait3A_308, %dma_wait3A_314] : memref<4096x200x128xf32, #tpu.memory_space<hbm>> -> memref<128x1x128xf32, #tpu.memory_space<hbm>>
    %dma_wait3A_316 = tpu.memref_squeeze %dma_wait3A_315 : memref<128x1x128xf32, #tpu.memory_space<hbm>> -> memref<128x128xf32, #tpu.memory_space<hbm>>
    %dma_wait3A_317 = tpu.memref_slice %arg8[%dma_wait3A_309] : memref<5x!tpu.dma_semaphore, #tpu.memory_space<semaphore_mem>> -> memref<1x!tpu.dma_semaphore, #tpu.memory_space<semaphore_mem>>
    %dma_wait3A_318 = tpu.memref_squeeze %dma_wait3A_317 : memref<1x!tpu.dma_semaphore, #tpu.memory_space<semaphore_mem>> -> memref<!tpu.dma_semaphore, #tpu.memory_space<semaphore_mem>>
    %dma_wait3A_319 = arith.constant 0 : i32
    %dma_wait3A_320 = tpu.memref_slice %arg4[%mul3A_2, %dma_wait3A_308, %dma_wait3A_319] : memref<4096x200x128xf32, #tpu.memory_space<hbm>> -> memref<128x1x128xf32, #tpu.memory_space<hbm>>
    %dma_wait3A_321 = tpu.memref_squeeze %dma_wait3A_320 : memref<128x1x128xf32, #tpu.memory_space<hbm>> -> memref<128x128xf32, #tpu.memory_space<hbm>>
    %dma_wait3A_322 = arith.constant 0 : i32
    %dma_wait3A_323 = arith.constant 0 : i32
    %dma_wait3A_324 = tpu.memref_slice %arg6[%dma_wait3A_307, %dma_wait3A_322, %dma_wait3A_323] : memref<5x128x128xf32, #tpu.memory_space<vmem>> -> memref<1x128x128xf32, #tpu.memory_space<vmem>>
    %dma_wait3A_325 = tpu.memref_squeeze %dma_wait3A_324 : memref<1x128x128xf32, #tpu.memory_space<vmem>> -> memref<128x128xf32, #tpu.memory_space<vmem>>
    tpu.wait_dma2 semaphore(%dma_wait3A_318 : memref<!tpu.dma_semaphore, #tpu.memory_space<semaphore_mem>>) src(%dma_wait3A_325 : memref<128x128xf32, #tpu.memory_space<vmem>>) dst(%dma_wait3A_321 : memref<128x128xf32, #tpu.memory_space<hbm>>)
    %dma_wait3A_326 = arith.constant 4 : i32
    %dma_wait3A_327 = arith.constant 199 : i32
    %dma_wait3A_328 = arith.constant 4 : i32
    %dma_wait3A_329 = arith.constant 0 : i32
    %dma_wait3A_330 = arith.constant 0 : i32
    %dma_wait3A_331 = tpu.memref_slice %arg6[%dma_wait3A_326, %dma_wait3A_329, %dma_wait3A_330] : memref<5x128x128xf32, #tpu.memory_space<vmem>> -> memref<1x128x128xf32, #tpu.memory_space<vmem>>
    %dma_wait3A_332 = tpu.memref_squeeze %dma_wait3A_331 : memref<1x128x128xf32, #tpu.memory_space<vmem>> -> memref<128x128xf32, #tpu.memory_space<vmem>>
    %dma_wait3A_333 = arith.constant 0 : i32
    %dma_wait3A_334 = tpu.memref_slice %arg4[%mul3A_2, %dma_wait3A_327, %dma_wait3A_333] : memref<4096x200x128xf32, #tpu.memory_space<hbm>> -> memref<128x1x128xf32, #tpu.memory_space<hbm>>
    %dma_wait3A_335 = tpu.memref_squeeze %dma_wait3A_334 : memref<128x1x128xf32, #tpu.memory_space<hbm>> -> memref<128x128xf32, #tpu.memory_space<hbm>>
    %dma_wait3A_336 = tpu.memref_slice %arg8[%dma_wait3A_328] : memref<5x!tpu.dma_semaphore, #tpu.memory_space<semaphore_mem>> -> memref<1x!tpu.dma_semaphore, #tpu.memory_space<semaphore_mem>>
    %dma_wait3A_337 = tpu.memref_squeeze %dma_wait3A_336 : memref<1x!tpu.dma_semaphore, #tpu.memory_space<semaphore_mem>> -> memref<!tpu.dma_semaphore, #tpu.memory_space<semaphore_mem>>
    %dma_wait3A_338 = arith.constant 0 : i32
    %dma_wait3A_339 = tpu.memref_slice %arg4[%mul3A_2, %dma_wait3A_327, %dma_wait3A_338] : memref<4096x200x128xf32, #tpu.memory_space<hbm>> -> memref<128x1x128xf32, #tpu.memory_space<hbm>>
    %dma_wait3A_340 = tpu.memref_squeeze %dma_wait3A_339 : memref<128x1x128xf32, #tpu.memory_space<hbm>> -> memref<128x128xf32, #tpu.memory_space<hbm>>
    %dma_wait3A_341 = arith.constant 0 : i32
    %dma_wait3A_342 = arith.constant 0 : i32
    %dma_wait3A_343 = tpu.memref_slice %arg6[%dma_wait3A_326, %dma_wait3A_341, %dma_wait3A_342] : memref<5x128x128xf32, #tpu.memory_space<vmem>> -> memref<1x128x128xf32, #tpu.memory_space<vmem>>
    %dma_wait3A_344 = tpu.memref_squeeze %dma_wait3A_343 : memref<1x128x128xf32, #tpu.memory_space<vmem>> -> memref<128x128xf32, #tpu.memory_space<vmem>>
    tpu.wait_dma2 semaphore(%dma_wait3A_337 : memref<!tpu.dma_semaphore, #tpu.memory_space<semaphore_mem>>) src(%dma_wait3A_344 : memref<128x128xf32, #tpu.memory_space<vmem>>) dst(%dma_wait3A_340 : memref<128x128xf32, #tpu.memory_space<hbm>>)
    return
  }
}

</mosaic_0001>

<sc_bundles>
// kernel: kernel.3.cloned.1.call-start
scs
__scs_entry_jumppad:
0x0: {  	(pc) =	sbr.rel $0x88, $3  }
0x1: {  	(tag) =	ssettag $0x0;
	lr =	simm.s32 $0x1  }
0x2: {  	[smem:$0x3F9F] =	sst lr;
	_ =	strace $0xD0000000  }
0x3: {  	_ = 	snop  }
0x4: {  	_ = 	snop  }
0x5: {  	_ = 	snop  }
0x6: {  	_ = 	snop  }
0x7: {  	_ = 	snop  }
__scs_overlays_trampoline_lowered:
0x8: {  	[smem:$0x3FAE] =	sst s0  }
0x9: {  	[smem:$0x3FAF] =	sst s1  }
0xa: {  	[smem:$0x3FB0] =	sst s2  }
0xb: {  	[smem:$0x3FB1] =	sst s3  }
0xc: {  	[smem:$0x3FB2] =	sst s4  }
0xd: {  	[smem:$0x3FB3] =	sst s5  }
0xe: {  	[smem:$0x3FB4] =	sst s6  }
0xf: {  	[smem:$0x3FB5] =	sst s7  }
0x10: {  	[smem:$0x3FB6] =	sst s8  }
0x11: {  	[smem:$0x3FB7] =	sst s9;
	s0 =	simm.s32 @!p0 $0x0  }
0x12: {  	s1 =	sld [smem:$0x3F9D];
	s0 =	simm.s32 @p0 $0x1  }
0x13: {  	[smem:$0x3FB8] =	sst s0;
	s0 =	simm.s32 @!p1 $0x0  }
0x14: {  	s2 =	sld [smem:$0x3F9C];
	s0 =	simm.s32 @p1 $0x1  }
0x15: {  	[smem:$0x3FB9] =	sst s0;
	s0 =	simm.s32 @!p2 $0x0  }
0x16: {  	s3 =	sld [smem:$0x3FDB];
	s0 =	simm.s32 @p2 $0x1  }
0x17: {  	s4 =	simm.s32 $0x1BF5;
	[smem:$0x3FBB] =	sst s0  }
0x18: {  	s0 =	sld [smem:$0x3F9E];
	_ =	swait.ge [sflag:s4], $0x0  }
0x19: {  	s7 =	sld [smem:$0x3F9F]  }
0x1a: {  	s8 =	sadd.s32 $0xFFFFE003, lr  }
0x1b: {  	s9 =	sadd.s32 $0xFFFFFEF7, lr;
	s5 =	simm.s32 $0xFFFFFFFF;
	p2 =	slt.u32 s8, $0xFFFFF086  }
0x1c: {  	p1 =	slt.u32 s9, $0xF7A;
	s5 =	simm.s32 @!p2 $0x0  }
0x1d: {  	s5 =	simm.s32 @p1 $0x1;
	p0 =	seq.s32 s7, s2  }
0x1e: {  	s7 =	smul.u32 @!p0 $0xF7A, s2;
	p2 =	seq.s32 @!p0 s5, $0x0  }
0x1f: {  	s9 =	smul.u32 $0xF7A, s1;
	s8 =	simm.s32 @!p0 $0x1BF5;
	p2 =	por !p2, p0  }
0x20: {  	[sflag:s8] =	ssyncset.s32 @!p0 $0xFFFFF086;
	s6 =	sadd.s32 @!p0 s3, s7;
	s7 =	simm.s32 @!p0 $0x108  }
0x21: {  	s3 =	sadd.s32 s3, s9;
	s6 =	sadd.s32 @!p0 $0x88, s6;
	s7 =	simm.s32 @p2 $0x1082  }
0x22: {  	[simem:s7], [sflag:s8] =	dma.local @!p0 [hbm:s6], $0xF7A  }
0x23: {  	s9 =	sor.u32 $0xD0000000, s2;
	s6 =	simm.s32 $0x108;
	_ =	swait.ge @!p0 [sflag:s8], $0x0  }
0x24: {  	s3 =	sadd.s32 $0x88, s3;
	s6 =	simm.s32 @!p1 $0x1082;
	[sflag:s4] =	ssyncset.s32 $0xFFFFF086  }
0x25: {  	[simem:s6], [sflag:s4] =	dma.local [hbm:s3], $0xF7A  }
0x26: {  	[smem:$0x3F9F] =	sst s1;
	(tag) =	ssettag s2;
	_ =	strace s9  }
0x27: {  	s1 =	sld [smem:$0x3FAF]  }
0x28: {  	s2 =	sld [smem:$0x3FB0]  }
0x29: {  	s4 =	sld [smem:$0x3FB2]  }
0x2a: {  	p0 =	seq.s32 s5, $0x0;
	s5 =	sld [smem:$0x3FB3]  }
0x2b: {  	s6 =	sld [smem:$0x3FB4]  }
0x2c: {  	s7 =	sld [smem:$0x3FB5]  }
0x2d: {  	s3 =	simm.s32 $0x108;
	s8 =	sld [smem:$0x3FB6]  }
0x2e: {  	s3 =	simm.s32 @!p0 $0x1082;
	s9 =	sld [smem:$0x3FB7]  }
0x2f: {  	lr =	sadd.s32 s0, s3;
	s0 =	sld [smem:$0x3FAE]  }
0x30: {  	s3 =	sld [smem:$0x3FB1]  }
0x31: {  	[smem:$0x3FBA] =	sst s10  }
0x32: {  	s10 =	sld [smem:$0x3FB8];
	_ =	sdelay $0x3  }
0x33: {  	p0 =	seq.s32 s10, $0x1;
	s10 =	sld [smem:$0x3FBA];
	_ =	sdelay $0x3  }
0x34: {  	[smem:$0x3FBA] =	sst s10  }
0x35: {  	s10 =	sld [smem:$0x3FB9];
	_ =	sdelay $0x3  }
0x36: {  	p1 =	seq.s32 s10, $0x1;
	s10 =	sld [smem:$0x3FBA];
	_ =	sdelay $0x3  }
0x37: {  	[smem:$0x3FBA] =	sst s10  }
0x38: {  	s10 =	sld [smem:$0x3FBB]  }
0x39: {  	_ = 	snop;
	(pc) =	sbr.ind lr, $3  }
0x3a: {  	_ = 	snop  }
0x3b: {  	_ = 	snop  }
0x3c: {  	p2 =	seq.s32 s10, $0x1;
	s10 =	sld [smem:$0x3FBA]  }
0x3d: {  	_ =	shalt  }
0x3e: {  	_ =	shalt  }
0x3f: {  	_ =	shalt  }
0x40: {  	_ =	shalt  }
0x41: {  	_ =	shalt  }
0x42: {  	_ =	shalt  }
0x43: {  	_ =	shalt  }
0x44: {  	_ =	shalt  }
0x45: {  	_ =	shalt  }
0x46: {  	_ =	shalt  }
0x47: {  	_ =	shalt  }
0x48: {  	_ =	shalt  }
0x49: {  	_ =	shalt  }
0x4a: {  	_ =	shalt  }
0x4b: {  	_ =	shalt  }
0x4c: {  	_ =	shalt  }
0x4d: {  	_ =	shalt  }
0x4e: {  	_ =	shalt  }
0x4f: {  	_ =	shalt  }
0x50: {  	_ =	shalt  }
0x51: {  	_ =	shalt  }
0x52: {  	_ =	shalt  }
0x53: {  	_ =	shalt  }
0x54: {  	_ =	shalt  }
0x55: {  	_ =	shalt  }
0x56: {  	_ =	shalt  }
0x57: {  	_ =	shalt  }
0x58: {  	_ =	shalt  }
0x59: {  	_ =	shalt  }
0x5a: {  	_ =	shalt  }
0x5b: {  	_ =	shalt  }
0x5c: {  	_ =	shalt  }
0x5d: {  	_ =	shalt  }
0x5e: {  	_ =	shalt  }
0x5f: {  	_ =	shalt  }
0x60: {  	_ =	shalt  }
0x61: {  	_ =	shalt  }
0x62: {  	_ =	shalt  }
0x63: {  	_ =	shalt  }
0x64: {  	_ =	shalt  }
0x65: {  	_ =	shalt  }
0x66: {  	_ =	shalt  }
0x67: {  	_ =	shalt  }
0x68: {  	_ =	shalt  }
0x69: {  	_ =	shalt  }
0x6a: {  	_ =	shalt  }
0x6b: {  	_ =	shalt  }
0x6c: {  	_ =	shalt  }
0x6d: {  	_ =	shalt  }
0x6e: {  	_ =	shalt  }
0x6f: {  	_ =	shalt  }
0x70: {  	_ =	shalt  }
0x71: {  	_ =	shalt  }
0x72: {  	_ =	shalt  }
0x73: {  	_ =	shalt  }
0x74: {  	_ =	shalt  }
0x75: {  	_ =	shalt  }
0x76: {  	_ =	shalt  }
0x77: {  	_ =	shalt  }
0x78: {  	_ =	shalt  }
0x79: {  	_ =	shalt  }
0x7a: {  	_ =	shalt  }
0x7b: {  	_ =	shalt  }
0x7c: {  	_ =	shalt  }
0x7d: {  	_ =	shalt  }
0x7e: {  	_ =	shalt  }
0x7f: {  	_ =	shalt  }
0x80: {  	_ =	shalt  }
0x81: {  	_ =	shalt  }
0x82: {  	_ =	shalt  }
0x83: {  	_ =	shalt  }
0x84: {  	_ =	shalt  }
0x85: {  	_ =	shalt  }
0x86: {  	_ =	shalt  }
0x87: {  	_ =	shalt  }
.Lfunc_end0:
.L_simem_size_0:
called_computation.1_lowered:
.L_overlay_start_0:
0x88: {  	s2 =	sld [smem:$0x3FD9]  }
0x89: {  	s3 =	sld [smem:$0x3FFE];
	_ =	sdelay $0x1  }
0x8a: {  	s1 =	srdreg.scid  }
0x8b: {  	s0 =	sand.u32 $0x1, s1  }
0x8c: {  	s17 =	sshll.u32 s0, $0xA;
	s2 =	sadd.s32 s3, s2  }
0x8d: {  	s2 =	sadd.s32 s2, s17  }
0x8e: {  	[smem:$0x3FC6] =	sst s2  }
0x8f: {  	_ = 	snop  }
0x90: {  	s2 =	sld [smem:$0x3FC9];
	(tm) =	ssettm $0x1  }
0x91: {  	s18 =	sld [smem:$0x3FFB];
	_ =	sdelay $0x3  }
0x92: {  	_ =	strace s18  }
0x93: {  	s3 =	sld [smem:$0x3FFC];
	_ =	sdelay $0x3  }
0x94: {  	_ =	strace s3  }
0x95: {  	s3 =	sld [smem:$0x3FFD];
	_ =	sdelay $0x3  }
0x96: {  	_ =	strace s3  }
0x97: {  	_ =	strace $0x8FFFFFFF  }
0x98: {  	s19 =	sld [smem:$0x3FDB];
	_ =	sdelay $0x1  }
0x99: {  	s4 =	simm.s32 $_scs_section_size  }
0x9a: {  	s5 =	simm.s32 $_size__tile_overlayer_lowered;
	s6 =	simm.s32 $_tile_overlayer_lowered  }
0x9b: {  	s22 =	simm.s32 $0x1BFF;
	s21 =	sshll.u32 s6, $0x1;
	s3 =	sadd.s32 s4, s19  }
0x9c: {  	s7 =	simm.s32 $0x0;
	s20 =	sshll.u32 s5, $0x1;
	s5 =	sadd.s32 s21, s3  }
0x9d: {  	[timem:s7], [sflag:s22] =	dma.local [hbm:s5], s20  }
0x9e: {  	_ =	swait.ge [sflag:s22], s20  }
0x9f: {  	s4 =	ssub.s32 $0x0, s20;
	[sflag:s22] =	ssyncset.done $0x0  }
0xa0: {  	[sflag:s22] =	ssyncadd.s32 s4;
	_ =	sdelay $0x1  }
0xa1: {  	s23 =	simm.s32 $0x1B8B  }
0xa2: {  	_ =	swait.ge [sflag:s23], $0x1  }
0xa3: {  	[sflag:s23] =	ssyncset.done $0x0  }
0xa4: {  	s25 =	simm.s32 $0x1B8E;
	s24 =	sld [smem:$0x3FFE];
	[sflag:s23] =	ssyncadd.s32 $0xFFFFFFFF  }
0xa5: {  	s26 =	simm.s32 $execute0_lowered;
	[smem:$0x3FD2] =	sst s25  }
0xa6: {  	s5 =	sshll.u32 s26, $0x1;
	_ =	strace $0x80000046;
	[dreg:$0x1] =	wrdreg $0xFFFFFFFF  }
0xa7: {  	s28 =	simm.s32 $_size_execute0_lowered;
	s3 =	sadd.s32 s3, s5;
	[dreg:$0x0] =	wrdreg $0x0  }
0xa8: {  	s5 =	sshll.u32 s28, $0x1;
	[dreg:$0x2] =	wrdreg s3  }
0xa9: {  	[dreg:$0x3] =	wrdreg s5  }
0xaa: {  	[dreg:$0x4] =	wrdreg $0xC0  }
0xab: {  	_ =	task [dreg:s7], $0x5FFFF  }
0xac: {  	[dreg:$0x1] =	wrdreg $0xFFFFFFFF  }
0xad: {  	[dreg:$0x0] =	wrdreg $0x60  }
0xae: {  	[dreg:$0x2] =	wrdreg s2  }
0xaf: {  	[dreg:$0x3] =	wrdreg s24  }
0xb0: {  	[dreg:$0x4] =	wrdreg $0x9  }
0xb1: {  	_ =	task.clear_ibuf [dreg:s7], $0x5FFFF;
	_ =	strace $0x90000046  }
0xb2: {  	s29 =	simm.s32 $0x9;
	_ =	strace $0x80000048  }
0xb3: {  	_ =	swait.ge [sflag:s29], $0x1  }
0xb4: {  	[sflag:s29] =	ssyncadd.s32 $0xFFFFFFFF  }
0xb5: {  	_ =	strace $0x90000048  }
0xb6: {  	_ =	sfence  }
0xb7: {  	s30 =	sld [smem:$0x0];
	_ =	sdelay $0x2  }
0xb8: {  	s31 =	sshll.u32 s1, $0xD;
	s1 =	sshrl.u32 s1, $0x2  }
0xb9: {  	s3 =	sand.u32 $0x4000, s31;
	s1 =	sadd.s32 s1, s30  }
0xba: {  	s0 =	sor.u32 s3, s0;
	s1 =	sshll.u32 s1, $0x11  }
0xbb: {  	s0 =	sor.u32 s1, s0  }
0xbc: {  	s0 =	sadd.s32 $0x8F2B, s0  }
0xbd: {  	[sflag:s0] =	ssyncadd.remote.s32 $0x1  }
0xbe: {  	_ =	sfence.sel $0xFFFF  }
0xbf: {  	[dreg:$0x0] =	wrdreg $0xFFFFFFFF;
	(pc) =	sbr.abs _section_cstart, $3  }
0xc0: {  	[dreg:$0x1] =	wrdreg $0xFFFFFFFF  }
0xc1: {  	_ =	task.clear_ibuf [dreg:s7], $0x2FFFF;
	_ =	strace $0x9FFFFFFF  }
0xc2: {  	(tm) =	ssettm $0x7FFFFFFF  }
0xc3: {  	_ =	shalt  }
tec
execute0_lowered:
.L_overlay_start_1:
0x0: {  	(tag) =	ssettag $0x1  }
0x1: {  	s0 =	rddreg [dreg:$0x0]  }
0x2: {  	s1 =	rddreg [dreg:$0x1];
	s2 =	srdreg.scid  }
0x3: {  	s7 =	stileid.u32;
	s4 =	simm.s32 $0x0;
	s28 =	simm.s32 $0x16400  }
0x4: {  	s29 =	simm.s32 $0x1;
	s30 =	simm.s32 $0x6;
	s31 =	simm.s32 $0x2  }
0x5: {  	s2 =	sand.u32 $0x1, s2;
	s3 =	sshll.u32 s7, $0x1;
	[smem:$0x7FF] =	sst s4  }
0x6: {  	s7 =	smul.u32 $0x640000, s7;
	s13 =	sor.u32 s2, s3;
	_ =	strace $0x80000047  }
0x7: {  	s3 =	sadd.s32 $0xF42C00, s1;
	s6 =	ssub.s32 $0x2, s2;
	s2 =	smul.u32 $0x320000, s2  }
0x8: {  	s5 =	smul.u32 $0x64000, s13;
	s8 =	sshrl.u32 s6, $0x1;
	s4 =	sshll.u32 s13, $0x7  }
0x9: {  	s1 =	sadd.s32 $0x800, s1;
	s6 =	ssub.s32 s6, s8;
	s0 =	sadd.s32 s0, s4  }
0xa: {  	s15 =	sadd.s32 s2, s7;
	s5 =	sadd.s32 s5, s1;
	[dreg:$0x3] =	wrdreg s0  }
0xb: {  	s18 =	sor.u32 $0x200, s15;
	s21 =	smax.u32 s6, $0x1;
	s22 =	sor.u32 $0x180, s15  }
0xc: {  	s23 =	sor.u32 $0x100, s15;
	s24 =	sor.u32 $0x80, s15;
	s0 =	sshrl.u32 s15, $0x3  }
0xd: {  	s14 =	sadd.s32 $0xC30, s5;
	s16 =	sadd.s32 $0xC40, s5;
	s17 =	sadd.s32 $0xC50, s5  }
0xe: {  	s19 =	sadd.s32 $0xC60, s5;
	s20 =	sadd.s32 $0xC70, s5;
	[dreg:$0x9] =	wrdreg s21  }
0xf: {  	s2 =	sshrl.u32 s18, $0x3;
	s25 =	sshrl.u32 s23, $0x3;
	[dreg:$0x4] =	wrdreg s14  }
0x10: {  	s26 =	sshrl.u32 s24, $0x3;
	s15 =	sadd.s32 s0, s1;
	[dreg:$0x5] =	wrdreg s16  }
0x11: {  	s21 =	simm.s32 $0xA400;
	s23 =	simm.s32 $0xE400;
	[dreg:$0x6] =	wrdreg s17  }
0x12: {  	s0 =	simm.s32 $0x7;
	s24 =	simm.s32 $0x5;
	[dreg:$0x7] =	wrdreg s19  }
0x13: {  	[dreg:$0x8] =	wrdreg s20;
	s11 =	sadd.s32 s2, s1;
	s2 =	sshrl.u32 s22, $0x3  }
0x14: {  	s13 =	sadd.s32 s25, s1;
	s14 =	sadd.s32 s26, s1;
	s19 =	simm.s32 $0x80  }
0x15: {  	s20 =	simm.s32 $0x6400;
	s25 =	simm.s32 $0x12400;
	s16 =	simm.s32 $0x8  }
0x16: {  	s17 =	simm.s32 $0x4;
	s22 =	simm.s32 $0x9;
	s26 =	simm.s32 $0xA  }
0x17: {  	s12 =	sadd.s32 s2, s1;
	s1 =	simm.s32 $0x3;
	s2 =	simm.s32 $0x0  }
.LBB2_1:
0x18: {  	s4 =	simm.s32 $0x0;
	s5 =	rddreg [dreg:$0x3]  }
0x19: {  	s6 =	simm.s32 $0x400;
	s7 =	simm.s32 $0x8000;
	s18 =	simm.s32 $0xB  }
0x1a: {  	[tilespmem:s4], [sflag:$0xB] =	stream.strided.gather [hbm4b:s5+s6], $0x6400, s7, s6, $0x38;
	[tilespmem:$0x1A400] =	vst v63  }
0x1b: {  	_ =	swait.ge [sflag:s18], $0x6400  }
0x1c: {  	[sflag:s18] =	ssyncset.done $0x0  }
0x1d: {  	[sflag:s18] =	ssyncadd.s32 $0xFFFF9C00  }
0x1e: {  	[tilespmem:s20], [sflag:$0x1] =	stream.indirect.gather [hbm4b:s3+s19], $0x80, s4, s19, $0xb8;
	[tilespmem:$0x1A400] =	vst v63  }
0x1f: {  	_ = 	snop  }
0x20: {  	[tilespmem:s21], [sflag:$0x2] =	stream.indirect.gather [hbm4b:s3+s19], $0x80, s19, s19, $0xb8;
	[tilespmem:$0x1A400] =	vst v63  }
0x21: {  	s5 =	simm.s32 $0x100  }
0x22: {  	[tilespmem:s23], [sflag:$0x3] =	stream.indirect.gather [hbm4b:s3+s19], $0x80, s5, s19, $0xb8;
	[tilespmem:$0x1A400] =	vst v63  }
0x23: {  	s6 =	simm.s32 $0x180  }
0x24: {  	[tilespmem:s25], [sflag:$0x4] =	stream.indirect.gather [hbm4b:s3+s19], $0x80, s6, s19, $0xb8;
	[tilespmem:$0x1A400] =	vst v63  }
0x25: {  	s7 =	simm.s32 $0x200  }
0x26: {  	[tilespmem:s28], [sflag:$0x5] =	stream.indirect.gather [hbm4b:s3+s19], $0x80, s7, s19, $0xb8;
	[tilespmem:$0x1A400] =	vst v63  }
0x27: {  	_ =	swait.ge [sflag:s29], $0x4000  }
0x28: {  	[sflag:s29] =	ssyncset.done $0x0  }
0x29: {  	[sflag:s29] =	ssyncadd.s32 $0xFFFFC000  }
0x2a: {  	[hbm4b:s15+s19] =	stream.strided.scatter [tilespmem:s20], [sflag:$0x6], $0x4000, s20, s19, $0x38;
	[tilespmem:$0x1A400] =	vst v63  }
0x2b: {  	_ =	swait.ge [sflag:s30], $0x4000  }
0x2c: {  	[sflag:s30] =	ssyncset.done $0x0  }
0x2d: {  	s8 =	simm.s32 $0x280;
	[sflag:s30] =	ssyncadd.s32 $0xFFFFC000  }
0x2e: {  	[tilespmem:s20], [sflag:$0x1] =	stream.indirect.gather [hbm4b:s3+s19], $0x80, s8, s19, $0xb8;
	[tilespmem:$0x1A400] =	vst v63  }
0x2f: {  	_ =	swait.ge [sflag:s31], $0x4000  }
0x30: {  	[sflag:s31] =	ssyncset.done $0x0  }
0x31: {  	[sflag:s31] =	ssyncadd.s32 $0xFFFFC000  }
0x32: {  	[hbm4b:s14+s19] =	stream.strided.scatter [tilespmem:s21], [sflag:$0x7], $0x4000, s20, s19, $0x38;
	[tilespmem:$0x1A400] =	vst v63  }
0x33: {  	_ =	swait.ge [sflag:s0], $0x4000  }
0x34: {  	[sflag:s0] =	ssyncset.done $0x0  }
0x35: {  	s9 =	simm.s32 $0x300;
	[sflag:s0] =	ssyncadd.s32 $0xFFFFC000  }
0x36: {  	[tilespmem:s21], [sflag:$0x2] =	stream.indirect.gather [hbm4b:s3+s19], $0x80, s9, s19, $0xb8;
	[tilespmem:$0x1A400] =	vst v63  }
0x37: {  	_ =	swait.ge [sflag:s1], $0x4000  }
0x38: {  	[sflag:s1] =	ssyncset.done $0x0  }
0x39: {  	[sflag:s1] =	ssyncadd.s32 $0xFFFFC000  }
0x3a: {  	[hbm4b:s13+s19] =	stream.strided.scatter [tilespmem:s23], [sflag:$0x8], $0x4000, s20, s19, $0x38;
	[tilespmem:$0x1A400] =	vst v63  }
0x3b: {  	_ =	swait.ge [sflag:s16], $0x4000  }
0x3c: {  	[sflag:s16] =	ssyncset.done $0x0  }
0x3d: {  	s10 =	simm.s32 $0x380;
	[sflag:s16] =	ssyncadd.s32 $0xFFFFC000  }
0x3e: {  	[tilespmem:s23], [sflag:$0x3] =	stream.indirect.gather [hbm4b:s3+s19], $0x80, s10, s19, $0xb8;
	[tilespmem:$0x1A400] =	vst v63  }
0x3f: {  	_ =	swait.ge [sflag:s17], $0x4000  }
0x40: {  	[sflag:s17] =	ssyncset.done $0x0  }
0x41: {  	[sflag:s17] =	ssyncadd.s32 $0xFFFFC000  }
0x42: {  	[hbm4b:s12+s19] =	stream.strided.scatter [tilespmem:s25], [sflag:$0x9], $0x4000, s20, s19, $0x38;
	[tilespmem:$0x1A400] =	vst v63  }
0x43: {  	_ =	swait.ge [sflag:s22], $0x4000  }
0x44: {  	[sflag:s22] =	ssyncset.done $0x0  }
0x45: {  	s18 =	simm.s32 $0x400;
	[sflag:s22] =	ssyncadd.s32 $0xFFFFC000  }
0x46: {  	[tilespmem:s25], [sflag:$0x4] =	stream.indirect.gather [hbm4b:s3+s19], $0x80, s18, s19, $0xb8;
	[tilespmem:$0x1A400] =	vst v63  }
0x47: {  	_ =	swait.ge [sflag:s24], $0x4000  }
0x48: {  	[sflag:s24] =	ssyncset.done $0x0  }
0x49: {  	s4 =	simm.s32 $0xA00;
	[sflag:s24] =	ssyncadd.s32 $0xFFFFC000  }
0x4a: {  	[hbm4b:s11+s19] =	stream.strided.scatter [tilespmem:s28], [sflag:$0xA], $0x4000, s20, s19, $0x38;
	[tilespmem:$0x1A400] =	vst v63  }
0x4b: {  	s5 =	sadd.s32 $0x50, s14;
	s6 =	sadd.s32 $0x50, s15;
	_ =	swait.ge [sflag:s26], $0x4000  }
0x4c: {  	s7 =	sadd.s32 $0x50, s12;
	s8 =	sadd.s32 $0x50, s13;
	[sflag:s26] =	ssyncset.done $0x0  }
0x4d: {  	s9 =	sadd.s32 $0x50, s11;
	s10 =	simm.s32 $0x480;
	[sflag:s26] =	ssyncadd.s32 $0xFFFFC000  }
.LBB2_2:
0x4e: {  	[tilespmem:s28], [sflag:$0x5] =	stream.indirect.gather [hbm4b:s3+s19], $0x80, s10, s19, $0xb8;
	[tilespmem:$0x1A400] =	vst v63  }
0x4f: {  	s10 =	smov.u32 s4  }
0x50: {  	p0 =	sne.s32 s4, $0x17C00;
	s4 =	sadd.s32 $0xA00, s4;
	_ =	swait.ge [sflag:s29], $0x4000  }
0x51: {  	[sflag:s29] =	ssyncset.done $0x0  }
0x52: {  	[sflag:s29] =	ssyncadd.s32 $0xFFFFC000  }
0x53: {  	[hbm4b:s6+s19] =	stream.strided.scatter [tilespmem:s20], [sflag:$0x6], $0x4000, s20, s19, $0x38;
	[tilespmem:$0x1A400] =	vst v63  }
0x54: {  	_ =	swait.ge [sflag:s30], $0x4000  }
0x55: {  	s10 =	sshra.s32 s10, $0x2;
	[sflag:s30] =	ssyncset.done $0x0  }
0x56: {  	s18 =	sadd.s32 $0x280, s10;
	[sflag:s30] =	ssyncadd.s32 $0xFFFFC000  }
0x57: {  	[tilespmem:s20], [sflag:$0x1] =	stream.indirect.gather [hbm4b:s3+s19], $0x80, s18, s19, $0xb8;
	[tilespmem:$0x1A400] =	vst v63  }
0x58: {  	_ =	swait.ge [sflag:s31], $0x4000  }
0x59: {  	[sflag:s31] =	ssyncset.done $0x0  }
0x5a: {  	[sflag:s31] =	ssyncadd.s32 $0xFFFFC000  }
0x5b: {  	[hbm4b:s5+s19] =	stream.strided.scatter [tilespmem:s21], [sflag:$0x7], $0x4000, s20, s19, $0x38;
	[tilespmem:$0x1A400] =	vst v63  }
0x5c: {  	_ =	swait.ge [sflag:s0], $0x4000  }
0x5d: {  	[sflag:s0] =	ssyncset.done $0x0  }
0x5e: {  	s18 =	sadd.s32 $0x300, s10;
	[sflag:s0] =	ssyncadd.s32 $0xFFFFC000  }
0x5f: {  	[tilespmem:s21], [sflag:$0x2] =	stream.indirect.gather [hbm4b:s3+s19], $0x80, s18, s19, $0xb8;
	[tilespmem:$0x1A400] =	vst v63  }
0x60: {  	_ =	swait.ge [sflag:s1], $0x4000  }
0x61: {  	[sflag:s1] =	ssyncset.done $0x0  }
0x62: {  	[sflag:s1] =	ssyncadd.s32 $0xFFFFC000  }
0x63: {  	[hbm4b:s8+s19] =	stream.strided.scatter [tilespmem:s23], [sflag:$0x8], $0x4000, s20, s19, $0x38;
	[tilespmem:$0x1A400] =	vst v63  }
0x64: {  	_ =	swait.ge [sflag:s16], $0x4000  }
0x65: {  	[sflag:s16] =	ssyncset.done $0x0  }
0x66: {  	s18 =	sadd.s32 $0x380, s10;
	[sflag:s16] =	ssyncadd.s32 $0xFFFFC000  }
0x67: {  	[tilespmem:s23], [sflag:$0x3] =	stream.indirect.gather [hbm4b:s3+s19], $0x80, s18, s19, $0xb8;
	[tilespmem:$0x1A400] =	vst v63  }
0x68: {  	_ =	swait.ge [sflag:s17], $0x4000  }
0x69: {  	[sflag:s17] =	ssyncset.done $0x0  }
0x6a: {  	[sflag:s17] =	ssyncadd.s32 $0xFFFFC000  }
0x6b: {  	[hbm4b:s7+s19] =	stream.strided.scatter [tilespmem:s25], [sflag:$0x9], $0x4000, s20, s19, $0x38;
	[tilespmem:$0x1A400] =	vst v63  }
0x6c: {  	_ =	swait.ge [sflag:s22], $0x4000  }
0x6d: {  	[sflag:s22] =	ssyncset.done $0x0  }
0x6e: {  	s18 =	sadd.s32 $0x400, s10;
	[sflag:s22] =	ssyncadd.s32 $0xFFFFC000  }
0x6f: {  	[tilespmem:s25], [sflag:$0x4] =	stream.indirect.gather [hbm4b:s3+s19], $0x80, s18, s19, $0xb8;
	[tilespmem:$0x1A400] =	vst v63  }
0x70: {  	_ =	swait.ge [sflag:s24], $0x4000  }
0x71: {  	[sflag:s24] =	ssyncset.done $0x0  }
.Ltmp0:
0x72: {  	[sflag:s24] =	ssyncadd.s32 $0xFFFFC000;
	(pc) =	sbr.rel @p0 .LBB2_2-.Ltmp0, $4  }
0x73: {  	[hbm4b:s9+s19] =	stream.strided.scatter [tilespmem:s28], [sflag:$0xA], $0x4000, s20, s19, $0x38;
	[tilespmem:$0x1A400] =	vst v63  }
0x74: {  	s6 =	sadd.s32 $0x50, s6;
	s5 =	sadd.s32 $0x50, s5;
	_ =	swait.ge [sflag:s26], $0x4000  }
0x75: {  	s8 =	sadd.s32 $0x50, s8;
	s7 =	sadd.s32 $0x50, s7;
	[sflag:s26] =	ssyncset.done $0x0  }
0x76: {  	s10 =	sadd.s32 $0x480, s10;
	s9 =	sadd.s32 $0x50, s9;
	[sflag:s26] =	ssyncadd.s32 $0xFFFFC000  }
0x77: {  	[tilespmem:s28], [sflag:$0x5] =	stream.indirect.gather [hbm4b:s3+s19], $0x80, s10, s19, $0xb8;
	[tilespmem:$0x1A400] =	vst v63  }
0x78: {  	_ =	swait.ge [sflag:s29], $0x4000  }
0x79: {  	[sflag:s29] =	ssyncset.done $0x0  }
0x7a: {  	s4 =	rddreg [dreg:$0x4];
	[sflag:s29] =	ssyncadd.s32 $0xFFFFC000  }
0x7b: {  	[hbm4b:s4+s19] =	stream.strided.scatter [tilespmem:s20], [sflag:$0x6], $0x4000, s20, s19, $0x38;
	[tilespmem:$0x1A400] =	vst v63  }
0x7c: {  	_ =	swait.ge [sflag:s31], $0x4000  }
0x7d: {  	[sflag:s31] =	ssyncset.done $0x0  }
0x7e: {  	s7 =	rddreg [dreg:$0x5];
	[sflag:s31] =	ssyncadd.s32 $0xFFFFC000  }
0x7f: {  	[hbm4b:s7+s19] =	stream.strided.scatter [tilespmem:s21], [sflag:$0x7], $0x4000, s20, s19, $0x38;
	[tilespmem:$0x1A400] =	vst v63  }
0x80: {  	_ =	swait.ge [sflag:s1], $0x4000  }
0x81: {  	[sflag:s1] =	ssyncset.done $0x0  }
0x82: {  	s8 =	rddreg [dreg:$0x6];
	[sflag:s1] =	ssyncadd.s32 $0xFFFFC000  }
0x83: {  	[hbm4b:s8+s19] =	stream.strided.scatter [tilespmem:s23], [sflag:$0x8], $0x4000, s20, s19, $0x38;
	[tilespmem:$0x1A400] =	vst v63  }
0x84: {  	_ =	swait.ge [sflag:s17], $0x4000  }
0x85: {  	[sflag:s17] =	ssyncset.done $0x0  }
0x86: {  	s9 =	rddreg [dreg:$0x7];
	[sflag:s17] =	ssyncadd.s32 $0xFFFFC000  }
0x87: {  	[hbm4b:s9+s19] =	stream.strided.scatter [tilespmem:s25], [sflag:$0x9], $0x4000, s20, s19, $0x38;
	[tilespmem:$0x1A400] =	vst v63  }
0x88: {  	_ =	swait.ge [sflag:s24], $0x4000  }
0x89: {  	[sflag:s24] =	ssyncset.done $0x0  }
0x8a: {  	s10 =	rddreg [dreg:$0x8];
	[sflag:s24] =	ssyncadd.s32 $0xFFFFC000  }
0x8b: {  	[hbm4b:s10+s19] =	stream.strided.scatter [tilespmem:s28], [sflag:$0xA], $0x4000, s20, s19, $0x38;
	[tilespmem:$0x1A400] =	vst v63  }
0x8c: {  	_ =	swait.ge [sflag:s30], $0x4000  }
0x8d: {  	[sflag:s30] =	ssyncset.done $0x0  }
0x8e: {  	[sflag:s30] =	ssyncadd.s32 $0xFFFFC000  }
0x8f: {  	_ =	swait.ge [sflag:s0], $0x4000  }
0x90: {  	[sflag:s0] =	ssyncset.done $0x0  }
0x91: {  	[sflag:s0] =	ssyncadd.s32 $0xFFFFC000  }
0x92: {  	_ =	swait.ge [sflag:s16], $0x4000  }
0x93: {  	[sflag:s16] =	ssyncset.done $0x0  }
0x94: {  	[sflag:s16] =	ssyncadd.s32 $0xFFFFC000  }
0x95: {  	_ =	swait.ge [sflag:s22], $0x4000  }
0x96: {  	[sflag:s22] =	ssyncset.done $0x0  }
0x97: {  	[sflag:s22] =	ssyncadd.s32 $0xFFFFC000  }
0x98: {  	_ =	swait.ge [sflag:s26], $0x4000  }
0x99: {  	s2 =	sadd.s32 $0x1, s2;
	s18 =	rddreg [dreg:$0x9]  }
0x9a: {  	p0 =	sne.s32 s2, s18  }
.Ltmp1:
0x9b: {  	_ = 	snop;
	(pc) =	sbr.rel @p0 .LBB2_1-.Ltmp1, $3  }
0x9c: {  	_ =	sdelay $0x1  }
0x9d: {  	[sflag:s26] =	ssyncset.done $0x0  }
0x9e: {  	[sflag:s26] =	ssyncadd.s32 $0xFFFFC000  }
0x9f: {  	_ =	sfence.sel $0x180000  }
0xa0: {  	[bflag:$0x0] =	sbarrier.arrive $0xFFFF  }
0xa1: {  	_ =	strace $0x90000047  }
0xa2: {  	s0 =	stileid.u32;
	[bflag:$0x2] =	sbarrier.arrive $0xFFFF  }
0xa3: {  	p0 =	sne.s32 s0, $0x0;
	s0 =	rddreg [dreg:$0x2]  }
0xa4: {  	s0 =	sadd.s32 @!p0 $0x100000, s0  }
0xa5: {  	[sflag:s0] =	ssyncadd.tile.s32 @!p0 $0x1;
	_ =	shalt  }
.Lfunc_end2:
_tile_overlayer_lowered:
.L_overlay_start_2:
0xa6: {  	(tag) =	ssettag $0x2  }
0xa7: {  	s0 =	rddreg [dreg:$0x0];
	s2 =	stileid.u32  }
0xa8: {  	s1 =	rddreg [dreg:$0x1];
	p0 =	sne.s32 s2, $0x0  }
0xa9: {  	s3 =	rddreg [dreg:$0x2];
	[bflag:$0x3] =	sbarrier.arrive $0xFFFF;
	s2 =	simm.s32 @!p0 $0x1C0B  }
0xaa: {  	[timem:s3], [sflag:s2] =	dma.local @!p0 [hbm:s0], s1  }
0xab: {  	s0 =	simm.s32 @!p0 $0xB  }
0xac: {  	_ =	swait.ge @!p0 [sflag:s0], s1  }
0xad: {  	s1 =	ssub.s32 @!p0 $0x0, s1;
	[sflag:s0] =	ssyncset.done @!p0 $0x0  }
0xae: {  	[sflag:s0] =	ssyncadd.s32 @!p0 s1  }
0xaf: {  	[bflag:$0x3] =	sbarrier.arrive $0xFFFF  }
0xb0: {  	_ =	shalt  }

// kernel: sparse-core-data-format-call.cloned.1.call-start
scs
called_computation_lowered:
.L_overlay_start_0:
0x0: {  	s2 =	sld [smem:$0x3FD9]  }
0x1: {  	s3 =	sld [smem:$0x3FFE];
	_ =	sdelay $0x1  }
0x2: {  	s1 =	srdreg.scid  }
0x3: {  	s0 =	sand.u32 $0x1, s1  }
0x4: {  	s18 =	sshll.u32 s0, $0xA;
	s2 =	sadd.s32 s3, s2  }
0x5: {  	s2 =	sadd.s32 s2, s18  }
0x6: {  	[smem:$0x3FC6] =	sst s2  }
0x7: {  	_ = 	snop  }
0x8: {  	s2 =	sld [smem:$0x3FD0];
	(tm) =	ssettm $0x1  }
0x9: {  	s19 =	sld [smem:$0x3FFB];
	_ =	sdelay $0x3  }
0xa: {  	_ =	strace s19  }
0xb: {  	s3 =	sld [smem:$0x3FFC];
	_ =	sdelay $0x3  }
0xc: {  	_ =	strace s3  }
0xd: {  	s3 =	sld [smem:$0x3FFD];
	_ =	sdelay $0x3  }
0xe: {  	_ =	strace s3  }
0xf: {  	_ =	strace $0x8FFFFFFF  }
0x10: {  	s20 =	sld [smem:$0x3FDB];
	_ =	sdelay $0x1  }
0x11: {  	s4 =	simm.s32 $_scs_section_size  }
0x12: {  	s5 =	simm.s32 $_size__tile_overlayer_lowered;
	s6 =	simm.s32 $_tile_overlayer_lowered  }
0x13: {  	s23 =	simm.s32 $0x1BFF;
	s22 =	sshll.u32 s6, $0x1;
	s3 =	sadd.s32 s4, s20  }
0x14: {  	s7 =	simm.s32 $0x0;
	s21 =	sshll.u32 s5, $0x1;
	s5 =	sadd.s32 s22, s3  }
0x15: {  	[timem:s7], [sflag:s23] =	dma.local [hbm:s5], s21  }
0x16: {  	_ =	swait.ge [sflag:s23], s21  }
0x17: {  	s4 =	ssub.s32 $0x0, s21;
	[sflag:s23] =	ssyncset.done $0x0  }
0x18: {  	[sflag:s23] =	ssyncadd.s32 s4;
	_ =	sdelay $0x1  }
0x19: {  	s24 =	simm.s32 $0x1B8B  }
0x1a: {  	_ =	swait.ge [sflag:s24], $0x1  }
0x1b: {  	[sflag:s24] =	ssyncset.done $0x0  }
0x1c: {  	s26 =	simm.s32 $0x1B8E;
	s25 =	sld [smem:$0x3FFE];
	[sflag:s24] =	ssyncadd.s32 $0xFFFFFFFF  }
0x1d: {  	s27 =	simm.s32 $execute0_lowered;
	[smem:$0x3FD2] =	sst s26  }
0x1e: {  	s5 =	sshll.u32 s27, $0x1;
	_ =	strace $0x80000049;
	[dreg:$0x1] =	wrdreg $0xFFFFFFFF  }
0x1f: {  	s28 =	simm.s32 $_size_execute0_lowered;
	s3 =	sadd.s32 s3, s5;
	[dreg:$0x0] =	wrdreg $0x0  }
0x20: {  	s5 =	sshll.u32 s28, $0x1;
	[dreg:$0x2] =	wrdreg s3  }
0x21: {  	[dreg:$0x3] =	wrdreg s5  }
0x22: {  	[dreg:$0x4] =	wrdreg $0xC0  }
0x23: {  	_ =	task [dreg:s7], $0x5FFFF  }
0x24: {  	[dreg:$0x1] =	wrdreg $0xFFFFFFFF  }
0x25: {  	[dreg:$0x0] =	wrdreg $0x60  }
0x26: {  	[dreg:$0x2] =	wrdreg s25  }
0x27: {  	[dreg:$0x3] =	wrdreg s2  }
0x28: {  	[dreg:$0x4] =	wrdreg $0x9  }
0x29: {  	_ =	task.clear_ibuf [dreg:s7], $0x5FFFF;
	_ =	strace $0x90000049  }
0x2a: {  	s29 =	simm.s32 $0x9;
	_ =	strace $0x8000004B  }
0x2b: {  	_ =	swait.ge [sflag:s29], $0x1  }
0x2c: {  	[sflag:s29] =	ssyncadd.s32 $0xFFFFFFFF  }
0x2d: {  	_ =	strace $0x9000004B  }
0x2e: {  	_ =	sfence  }
0x2f: {  	s30 =	sld [smem:$0x0];
	_ =	sdelay $0x2  }
0x30: {  	s31 =	sshll.u32 s1, $0xD;
	s1 =	sshrl.u32 s1, $0x2  }
0x31: {  	s3 =	sand.u32 $0x4000, s31;
	s1 =	sadd.s32 s1, s30  }
0x32: {  	s0 =	sor.u32 s3, s0;
	s1 =	sshll.u32 s1, $0x11  }
0x33: {  	s0 =	sor.u32 s1, s0  }
0x34: {  	s0 =	sadd.s32 $0x8F2B, s0  }
0x35: {  	[sflag:s0] =	ssyncadd.remote.s32 $0x1  }
0x36: {  	_ =	sfence.sel $0xFFFF  }
0x37: {  	[dreg:$0x0] =	wrdreg $0xFFFFFFFF;
	(pc) =	sbr.abs _section_cstart, $3  }
0x38: {  	[dreg:$0x1] =	wrdreg $0xFFFFFFFF  }
0x39: {  	_ =	task.clear_ibuf [dreg:s7], $0x2FFFF;
	_ =	strace $0x9FFFFFFF  }
0x3a: {  	(tm) =	ssettm $0x7FFFFFFF  }
0x3b: {  	_ =	shalt  }
tec
execute0_lowered:
.L_overlay_start_1:
0x0: {  	(tag) =	ssettag $0x1  }
0x1: {  	s0 =	srdreg.scid  }
0x2: {  	s1 =	sshll.u32 s0, $0x4  }
0x3: {  	s0 =	stileid.u32;
	s1 =	sand.u32 $0x10, s1  }
0x4: {  	s1 =	sor.u32 s0, s1  }
0x5: {  	s6 =	rddreg [dreg:$0x0];
	s4 =	simm.s32 $0x1;
	s2 =	sshll.u32 s1, $0x7  }
0x6: {  	s7 =	simm.s32 $0x2;
	s12 =	simm.s32 $0x0;
	s1 =	ssub.s32 $0x1000, s2  }
0x7: {  	s8 =	simm.s32 $0x8000;
	s13 =	simm.s32 $0x0;
	s3 =	sand.u32 $0xF80, s1  }
0x8: {  	s9 =	simm.s32 $0x0;
	s5 =	sshrl.u32 s1, $0xC;
	p0 =	sne.s32 s3, $0x0  }
.Ltmp0:
0x9: {  	s1 =	rddreg [dreg:$0x2];
	s4 =	simm.s32 @!p0 $0x0;
	(pc) =	sbr.rel .LBB1_1-.Ltmp0, $4  }
0xa: {  	s11 =	simm.s32 $0x0;
	s3 =	rddreg [dreg:$0x1];
	s5 =	sadd.s32 s4, s5  }
0xb: {  	_ =	strace $0x8000004A;
	s4 =	simm.s32 $0x1;
	s5 =	smul.u32 $0xC8, s5  }
0xc: {  	s6 =	sadd.s32 $0x800, s6;
	s10 =	smov.u32 s2;
	[sflag:s4] =	ssyncpa.u1 $0x0  }
0xd: {  	p0 =	por $0x0, $0x0;
	[sflag:s7] =	ssyncpa.u1 $0x0;
	s7 =	sor.u32 $0x1, s5  }
.LBB1_4:
0xe: {  	s16 =	sshll.u32 s13, $0x3;
	s17 =	sand.u32 $0x78, s13  }
0xf: {  	s30 =	sand.u32 $0x7E00, s13;
	s12 =	sshll.u32 s12, $0xF;
	s16 =	sand.u32 $0xC00, s16  }
0x10: {  	[tilespmem:s15+$0x810 ss:$0x81] =	vst.msk $0xffff, v2;
	s31 =	sand.u32 $0x7, s13;
	s16 =	sor.u32 s17, s16;
	s17 =	sadd.s32 s3, s30  }
0x11: {  	[tilespmem:s15+$0x1020 ss:$0x81] =	vst.msk $0xffff, v0;
	s13 =	sshll.u32 s31, $0x12;
	s12 =	sadd.s32 s12, s17;
	s16 =	sshrl.u32 s16, $0x3  }
0x12: {  	[tilespmem:s15+$0x0 ss:$0x81] =	vst.msk $0xffff, v1;
	s13 =	sor.u32 $0x400, s13;
	s12 =	sadd.s32 s16, s12  }
0x13: {  	[hbm4b:s12+s13] =	stream.strided.scatter [tilespmem:s14], [sflag:$0x2], $0x2000, s8, s13, $0x20;
	[tilespmem:$0x8080] =	vst v63  }
.LBB1_5:
0x14: {  	s14 =	sadd.s32 $0x1, s9  }
0x15: {  	s12 =	sadd.s32 $0x1000, s10;
	s16 =	smov.u32 s10;
	p2 =	sgt.s32 s14, $0xC7  }
0x16: {  	s16 =	smov.u32 @p2 s12  }
0x17: {  	s14 =	simm.s32 @p2 $0x0;
	p2 =	sgt.s32 s16, $0xFFF  }
0x18: {  	s16 =	smov.u32 @p2 s2;
	p2 =	sne.s32 s11, s7  }
.Ltmp1:
0x19: {  	p1 =	slt.u32 s11, $0x2;
	(pc) =	sbr.rel @!p2 .LBB1_6-.Ltmp1, $4  }
0x1a: {  	s15 =	simm.s32 @!p1 $0x2  }
0x1b: {  	s13 =	smov.u32 s10;
	p0 =	por !p0, !p0;
	_ =	swait.ge @!p1 [sflag:s15], $0x2000  }
0x1c: {  	s12 =	smov.u32 s9;
	[sflag:s15] =	ssyncset.done @!p1 $0x0;
	s9 =	smov.u32 s14  }
0x1d: {  	s11 =	sadd.s32 $0x1, s11;
	[sflag:s15] =	ssyncadd.s32 @!p1 $0xFFFFE000;
	s10 =	smov.u32 s16  }
.LBB1_1:
0x1e: {  	p1 =	sge.u32 s11, s5  }
0x1f: {  	s14 =	sand.u32 @!p1 $0x1FFFFFF, s9  }
0x20: {  	s15 =	smulhi.u32 @!p1 $0x147AE15, s14;
	_ =	sdelay $0x1  }
0x21: {  	s15 =	smul.u32 @!p1 $0xC8, s15  }
0x22: {  	s16 =	sxor.u32 @!p1 $0xFFFFFFFF, s11;
	s17 =	smul.u32 @!p1 $0xC80, s10  }
0x23: {  	s31 =	sadd.s32 $0xFFFFFFFF, s11;
	s16 =	sshll.u32 @!p1 s16, $0xD;
	s14 =	ssub.s32 @!p1 s14, s15  }
0x24: {  	s15 =	sand.u32 @!p1 $0x2000, s16;
	s16 =	sadd.s32 @!p1 s6, s17;
	s14 =	sshll.u32 @!p1 s14, $0x4  }
0x25: {  	s17 =	simm.s32 @!p1 $0x6400;
	s14 =	sadd.s32 @!p1 s14, s16;
	s16 =	simm.s32 @!p1 $0x40  }
0x26: {  	[tilespmem:s15], [sflag:$0x1] =	stream.strided.gather @!p1 [hbm4b:s14+s16], $0x2000, s17, s16, $0x38;
	[tilespmem:$0x8080] =	vst v63  }
0x27: {  	p1 =	sge.u32 s31, s5  }
.Ltmp2:
0x28: {  	_ = 	snop;
	(pc) =	sbr.rel @p1 .LBB1_5-.Ltmp2, $1  }
0x29: {  	_ =	sdelay $0x3  }
0x2a: {  	s14 =	simm.s32 $0x1  }
0x2b: {  	_ =	swait.ge [sflag:s4], $0x2000;
	s14 =	simm.s32 @!p0 $0x0  }
0x2c: {  	[sflag:s4] =	ssyncset.done $0x0;
	s15 =	sshll.u32 s14, $0xD  }
0x2d: {  	[sflag:s4] =	ssyncadd.s32 $0xFFFFE000;
	s18 =	sor.u32 $0x20, s15  }
0x2e: {  	s14 =	smul.u32 $0x8100, s14;
	v3 =	vld [tilespmem:s18+$0x10]  }
0x2f: {  	s30 =	sand.u32 $0x1, s11;
	v2 =	vld [tilespmem:s18+$0xFFFFFFF0]  }
0x30: {  	s15 =	smul.u32 $0x8100, s30;
	s14 =	sshrl.u32 s14, $0x2;
	v0 =	vld [tilespmem:s18+$0x0]  }
0x31: {  	v1 =	vld [tilespmem:s18+$0xFFFFFFE0];
	s16 =	sor.u32 $0x4000, s14  }
0x32: {  	s31 =	sshrl.u32 s15, $0x2;
	s15 =	sadd.s32 $0x0, s16  }
0x33: {  	s17 =	simm.s32 $0x4;
	s18 =	sadd.s32 $0x40, s18;
	s14 =	sor.u32 $0x4000, s31;
	[tilespmem:s15+$0x1830 ss:$0x81] =	vst.msk $0xffff, v3  }
.LBB1_3:
0x34: {  	v3 =	vld [tilespmem:s18+$0x10];
	p1 =	sne.s32 s17, $0x1FC;
	[tilespmem:s15+$0x810 ss:$0x81] =	vst.msk $0xffff, v2;
	s19 =	smov.u32 s17;
	s17 =	sadd.s32 $0x4, s17  }
.Ltmp3:
0x35: {  	v2 =	vld [tilespmem:s18+$0xFFFFFFF0];
	[tilespmem:s15+$0x1020 ss:$0x81] =	vst.msk $0xffff, v0;
	(pc) =	sbr.rel @p1 .LBB1_3-.Ltmp3, $4  }
0x36: {  	v0 =	vld [tilespmem:s18+$0x0];
	[tilespmem:s15+$0x0 ss:$0x81] =	vst.msk $0xffff, v1  }
0x37: {  	s15 =	sshra.s32 s19, $0x2;
	v1 =	vld [tilespmem:s18+$0xFFFFFFE0]  }
0x38: {  	s15 =	sadd.s32 s15, s16  }
0x39: {  	s18 =	sadd.s32 $0x40, s18;
	[tilespmem:s15+$0x1830 ss:$0x81] =	vst.msk $0xffff, v3  }
.Ltmp4:
0x3a: {  	_ = 	snop;
	(pc) =	sbr.rel .LBB1_4-.Ltmp4, $1  }
0x3b: {  	_ =	sdelay $0x3  }
.LBB1_6:
0x3c: {  	_ =	sfence.sel $0x180000  }
0x3d: {  	s2 =	simm.s32 $0x1;
	[bflag:$0x0] =	sbarrier.arrive $0xFFFF  }
0x3e: {  	s31 =	simm.s32 $0x2;
	[sflag:s2] =	ssyncpa.u1 $0x1  }
0x3f: {  	[sflag:s31] =	ssyncpa.u1 $0x1  }
0x40: {  	p0 =	sne.s32 s0, $0x0;
	_ =	strace $0x9000004A  }
0x41: {  	s0 =	sadd.s32 @!p0 $0x100000, s1;
	[bflag:$0x2] =	sbarrier.arrive $0xFFFF  }
0x42: {  	[sflag:s0] =	ssyncadd.tile.s32 @!p0 $0x1;
	_ =	shalt  }
.Lfunc_end1:
_tile_overlayer_lowered:
.L_overlay_start_2:
0x43: {  	(tag) =	ssettag $0x2  }
0x44: {  	s0 =	rddreg [dreg:$0x0];
	s2 =	stileid.u32  }
0x45: {  	s1 =	rddreg [dreg:$0x1];
	p0 =	sne.s32 s2, $0x0  }
0x46: {  	s3 =	rddreg [dreg:$0x2];
	[bflag:$0x3] =	sbarrier.arrive $0xFFFF;
	s2 =	simm.s32 @!p0 $0x1C01  }
0x47: {  	[timem:s3], [sflag:s2] =	dma.local @!p0 [hbm:s0], s1  }
0x48: {  	s0 =	simm.s32 @!p0 $0x1  }
0x49: {  	_ =	swait.ge @!p0 [sflag:s0], s1  }
0x4a: {  	s1 =	ssub.s32 @!p0 $0x0, s1;
	[sflag:s0] =	ssyncset.done @!p0 $0x0  }
0x4b: {  	[sflag:s0] =	ssyncadd.s32 @!p0 s1  }
0x4c: {  	[bflag:$0x3] =	sbarrier.arrive $0xFFFF  }
0x4d: {  	_ =	shalt  }

</sc_bundles>
